<compile_context>
chip_gen: v7x
topology: tpu7x:2x2x1
jax: 0.10.2.dev20260603
libtpu: 0.0.44.dev20260713+nightly
codegen_flags: <defaults>
</compile_context>

<pallas_src>
import functools

import numpy as np
import jax
import jax.numpy as jnp
from jax import lax
from jax.experimental import pallas as pl
from jax.experimental.pallas import tpu as pltpu
from jax.experimental.pallas import tpu_sc as plsc

FIELD = 26
LAT = 16
B = 16384
FLAT = FIELD * LAT
HPAD = 832
BS = 512
NBLK = B // BS

TOT = B * FIELD
SUB = 128
CH_ROWS = 8
CH = SUB * CH_ROWS
NW = 32
PER_W = TOT // NW
NCHUNK = PER_W // CH


def _build_src() -> np.ndarray:
    src = np.zeros((HPAD,), dtype=np.int32)
    src[:FLAT] = np.arange(FLAT)
    pos = FLAT
    for g in range(1, FIELD):
        n = FIELD - g
        for k in range(n):
            i, j = k, k + g
            p_ref = 25 * i - i * (i - 1) // 2 + (j - i - 1)
            src[pos + k] = FLAT + p_ref
        pos += ((n + 7) // 8) * 8
    assert pos == HPAD
    return src


_SRC = _build_src()


def _gather(emb, idx2):
    mesh = plsc.VectorSubcoreMesh(core_axis_name="c", subcore_axis_name="s")

    @functools.partial(
        pl.kernel,
        mesh=mesh,
        compiler_params=pltpu.CompilerParams(use_tc_tiling_on_sc=False),
        out_type=jax.ShapeDtypeStruct((TOT, LAT), jnp.float32),
        scratch_types=[
            pltpu.VMEM((CH_ROWS, SUB), jnp.int32),
            pltpu.VMEM((CH, LAT), jnp.float32),
            pltpu.SemaphoreType.DMA,
        ],
    )
    def k(emb_hbm, idx_hbm, out_hbm, idx_v, rows_v, sem):
        wid = lax.axis_index("s") * 2 + lax.axis_index("c")

        def body(c, carry):
            base = wid * PER_W + c * CH
            brow = wid * (PER_W // SUB) + c * CH_ROWS
            pltpu.sync_copy(idx_hbm.at[pl.ds(brow, CH_ROWS)], idx_v)
            cps = [
                pltpu.async_copy(
                    emb_hbm.at[idx_v.at[j]],
                    rows_v.at[pl.ds(j * SUB, SUB)],
                    sem,
                )
                for j in range(CH_ROWS)
            ]
            for cp in cps:
                cp.wait()
            pltpu.sync_copy(rows_v, out_hbm.at[pl.ds(base, CH)])
            return carry

        lax.fori_loop(0, NCHUNK, body, 0)

    return k(emb, idx2)


def _tc_body(xv_ref, w1_ref, b1_ref, w2_ref, b2_ref, w3_ref, b3_ref,
             w4_ref, b4_ref, out_ref):
    xv = xv_ref[...]
    nt_raw = xv.T
    x3 = nt_raw.reshape(FIELD, LAT, BS)
    mu = jnp.mean(x3, axis=1, keepdims=True)
    xc = x3 - mu
    var = jnp.mean(xc * xc, axis=1, keepdims=True)
    n3 = xc * lax.rsqrt(var + 1e-5)
    nt = n3.reshape(FLAT, BS)

    pieces = [nt]
    for g in range(1, FIELD):
        n = FIELD - g
        prod = nt[: LAT * n, :] * nt[LAT * g: LAT * (g + n), :]
        prod = prod.reshape(n, LAT, BS).sum(axis=1)
        pad = (-n) % 8
        if pad:
            prod = jnp.concatenate(
                [prod, jnp.zeros((pad, BS), jnp.float32)], axis=0)
        pieces.append(prod)
    h = jnp.concatenate(pieces, axis=0)

    a = jnp.dot(w1_ref[...], h.astype(jnp.bfloat16),
                preferred_element_type=jnp.float32)
    a = jnp.maximum(a + b1_ref[...], 0.0).astype(jnp.bfloat16)
    a = jnp.dot(w2_ref[...], a, preferred_element_type=jnp.float32)
    a = jnp.maximum(a + b2_ref[...], 0.0).astype(jnp.bfloat16)
    a = jnp.dot(w3_ref[...], a, preferred_element_type=jnp.float32)
    a = jnp.maximum(a + b3_ref[...], 0.0).astype(jnp.bfloat16)
    s = jnp.dot(w4_ref[...], a, preferred_element_type=jnp.float32)
    out_ref[...] = (s + b4_ref[...])[0]


def kernel(x, emb, W1, b1, W2, b2, W3, b3, W4, b4):
    idx2 = x.astype(jnp.int32).reshape(TOT // SUB, SUB)
    xv = _gather(emb, idx2)
    xvb = xv.reshape(B, FLAT)

    w1p = W1[jnp.asarray(_SRC), :].T.astype(jnp.bfloat16)
    w4p = jnp.pad(W4.T, ((0, 7), (0, 0))).astype(jnp.bfloat16)
    b4p = jnp.pad(b4[:, None], ((0, 7), (0, 0)))
    w2t = W2.T.astype(jnp.bfloat16)
    w3t = W3.T.astype(jnp.bfloat16)

    out = pl.pallas_call(
        _tc_body,
        grid=(NBLK,),
        in_specs=[
            pl.BlockSpec((BS, FLAT), lambda i: (i, 0)),
            pl.BlockSpec((1024, HPAD), lambda i: (0, 0)),
            pl.BlockSpec((1024, 1), lambda i: (0, 0)),
            pl.BlockSpec((512, 1024), lambda i: (0, 0)),
            pl.BlockSpec((512, 1), lambda i: (0, 0)),
            pl.BlockSpec((256, 512), lambda i: (0, 0)),
            pl.BlockSpec((256, 1), lambda i: (0, 0)),
            pl.BlockSpec((8, 256), lambda i: (0, 0)),
            pl.BlockSpec((8, 1), lambda i: (0, 0)),
        ],
        out_specs=pl.BlockSpec((BS,), lambda i: (i,)),
        out_shape=jax.ShapeDtypeStruct((B,), jnp.float32),
    )(xvb, w1p, b1[:, None], w2t, b2[:, None], w3t, b3[:, None], w4p, b4p)
    return out

# --- scband reference (transcript-rebuilt; emitter-appended) ---
"""Pipeline reference for scband-ipnn-17746804867110 (READ-ONLY COPY).

The authoritative reference and input builder live on the scoring server;
editing this copy changes nothing except your own understanding.
"""

import jax, jax.numpy as jnp
import numpy as np

FIELD_NUM = 26
LATENT = 16
FEATURE_NUM = 1040000
BATCH = 16384

_rows = []
_cols = []
for _i in range(FIELD_NUM):
    for _j in range(_i + 1, FIELD_NUM):
        _rows.append(_i)
        _cols.append(_j)
ROWS = jnp.array(_rows, dtype=jnp.int32)
COLS = jnp.array(_cols, dtype=jnp.int32)
N_PAIRS = len(_rows)  # 325
DNN_IN = FIELD_NUM * LATENT + N_PAIRS  # 741
MLP_DIMS = [DNN_IN, 1024, 512, 256, 1]


def setup_inputs(seed: int = 0) -> dict:
    key = jax.random.key(seed)
    ks = jax.random.split(key, 12)
    x = jax.random.randint(ks[0], (BATCH, FIELD_NUM), 0, FEATURE_NUM, dtype=jnp.int64)
    # xavier-uniform-ish embedding table
    limit = float(np.sqrt(6.0 / (FEATURE_NUM + LATENT)))
    emb = jax.random.uniform(ks[1], (FEATURE_NUM, LATENT), dtype=jnp.float32, minval=-limit, maxval=limit)
    inp = {"x": x, "emb": emb}
    for li in range(4):
        fan_in, fan_out = MLP_DIMS[li], MLP_DIMS[li + 1]
        inp[f"W{li+1}"] = jax.random.normal(ks[2 + li], (fan_in, fan_out), dtype=jnp.float32) * (1.0 / np.sqrt(fan_in))
        inp[f"b{li+1}"] = jnp.zeros((fan_out,), dtype=jnp.float32)
    return inp


def reference(x, emb, W1, b1, W2, b2, W3, b3, W4, b4):
    # calc_input: embedding lookup + LayerNorm (no affine); controller is None -> use norm_xv
    xv = jnp.take(emb, x, axis=0)  # [B, F, D]
    mu = jnp.mean(xv, axis=-1, keepdims=True)
    var = jnp.var(xv, axis=-1, keepdims=True)
    norm_xv = (xv - mu) / jnp.sqrt(var + 1e-5)
    # calc_product: pairwise inner products over all field pairs
    p = norm_xv[:, ROWS, :]  # [B, P, D]
    q = norm_xv[:, COLS, :]  # [B, P, D]
    product = jnp.sum(p * q, axis=2)  # [B, P]
    flat = norm_xv.reshape(norm_xv.shape[0], FIELD_NUM * LATENT)
    h = jnp.concatenate([flat, product], axis=1)  # [B, 741]
    # MLP (dropout inactive at inference)
    h = jax.nn.relu(h @ W1 + b1)
    h = jax.nn.relu(h @ W2 + b2)
    h = jax.nn.relu(h @ W3 + b3)
    score = h @ W4 + b4  # [B, 1]
    return jnp.squeeze(score, axis=1)

if __name__ == "__main__":
    import jax
    _d = setup_inputs()
    print(jax.jit(kernel)(*tuple(_d.values())))

</pallas_src>

<mosaic_0001>
#map = affine_map<(d0, d1) -> (0, 0)>
module attributes {stable_mosaic.version = 14 : i64} {
  func.func @k(%arg0: i32, %arg1: i32, %arg2: memref<1040000x16xf32, #tpu.memory_space<hbm>>, %arg3: memref<3328x128xi32, #tpu.memory_space<hbm>>, %arg4: memref<425984x16xf32, #tpu.memory_space<hbm>>, %arg5: memref<8x128xi32, #tpu.memory_space<vmem>>, %arg6: memref<1024x16xf32, #tpu.memory_space<vmem>>, %arg7: memref<!tpu.dma_semaphore, #tpu.memory_space<semaphore_mem>>) attributes {dimension_semantics = [#tpu.dimension_semantics<core_parallel>, #tpu.dimension_semantics<subcore_parallel>], iteration_bounds = array<i64: 2, 16>, scalar_prefetch = 0 : i64, scratch_operands = 3 : i64, tpu.core_type = #tpu.core_type<sc_vector_subcore>, window_params = [{transform_indices = #map}, {transform_indices = #map}, {transform_indices = #map}]} {
    %mul3A = arith.constant 2 : i32
    %mul3A_0 = arith.muli %arg1, %mul3A : i32
    %add3A = arith.addi %mul3A_0, %arg0 : i32
    %scan3A = arith.constant 0 : i32
    %scan3A_1 = arith.constant 0 : i32
    %scan3A_2 = arith.constant 13 : i32
    %scan3A_3 = arith.addi %scan3A_1, %scan3A_2 : i32
    %scan3A_4 = arith.constant 1 : i32
    scf.for %scan3A_6 = %scan3A_1 to %scan3A_3 step %scan3A_4  : i32 {
      %mul3A_7 = arith.constant 13312 : i32
      %mul3A_8 = arith.muli %add3A, %mul3A_7 : i32
      %mul3A_9 = arith.constant 1024 : i32
      %mul3A_10 = arith.muli %scan3A_6, %mul3A_9 : i32
      %add3A_11 = arith.addi %mul3A_8, %mul3A_10 : i32
      %mul3A_12 = arith.constant 104 : i32
      %mul3A_13 = arith.muli %add3A, %mul3A_12 : i32
      %mul3A_14 = arith.constant 8 : i32
      %mul3A_15 = arith.muli %scan3A_6, %mul3A_14 : i32
      %add3A_16 = arith.addi %mul3A_13, %mul3A_15 : i32
      "tpu.region"() ({
        %run_scoped3A = tpu.sem_alloc : memref<!tpu.dma_semaphore, #tpu.memory_space<semaphore_mem>>
        %dma_start3A_175 = arith.constant 0 : i32
        %dma_start3A_176 = tpu.memref_slice %arg3[%add3A_16, %dma_start3A_175] : memref<3328x128xi32, #tpu.memory_space<hbm>> -> memref<8x128xi32, #tpu.memory_space<hbm>>
        %dma_start3A_177 = arith.constant 0 : i32
        %dma_start3A_178 = tpu.memref_slice %arg3[%add3A_16, %dma_start3A_177] : memref<3328x128xi32, #tpu.memory_space<hbm>> -> memref<8x128xi32, #tpu.memory_space<hbm>>
        tpu.enqueue_dma source(%dma_start3A_178 : memref<8x128xi32, #tpu.memory_space<hbm>>) target(%arg5 : memref<8x128xi32, #tpu.memory_space<vmem>>) target_semaphore(%run_scoped3A : memref<!tpu.dma_semaphore, #tpu.memory_space<semaphore_mem>>)
        %dma_wait3A_179 = arith.constant 0 : i32
        %dma_wait3A_180 = tpu.memref_slice %arg3[%add3A_16, %dma_wait3A_179] : memref<3328x128xi32, #tpu.memory_space<hbm>> -> memref<8x128xi32, #tpu.memory_space<hbm>>
        %dma_wait3A_181 = arith.constant 0 : i32
        %dma_wait3A_182 = tpu.memref_slice %arg3[%add3A_16, %dma_wait3A_181] : memref<3328x128xi32, #tpu.memory_space<hbm>> -> memref<8x128xi32, #tpu.memory_space<hbm>>
        tpu.wait_dma2 semaphore(%run_scoped3A : memref<!tpu.dma_semaphore, #tpu.memory_space<semaphore_mem>>) src(%dma_wait3A_182 : memref<8x128xi32, #tpu.memory_space<hbm>>) dst(%arg5 : memref<8x128xi32, #tpu.memory_space<vmem>>)
        tpu.yield
      }) : () -> ()
      %dma_start3A = arith.constant 0 : i32
      %dma_start3A_17 = arith.constant 0 : i32
      %dma_start3A_18 = arith.constant 0 : i32
      %dma_start3A_19 = tpu.memref_slice %arg6[%dma_start3A_17, %dma_start3A_18] : memref<1024x16xf32, #tpu.memory_space<vmem>> -> memref<128x16xf32, #tpu.memory_space<vmem>>
      %dma_start3A_20 = arith.constant 0 : i32
      %dma_start3A_21 = tpu.memref_slice %arg5[%dma_start3A, %dma_start3A_20] : memref<8x128xi32, #tpu.memory_space<vmem>> -> memref<1x128xi32, #tpu.memory_space<vmem>>
      %dma_start3A_22 = tpu.memref_squeeze %dma_start3A_21 : memref<1x128xi32, #tpu.memory_space<vmem>> -> memref<128xi32, #tpu.memory_space<vmem>>
      %dma_start3A_23 = arith.constant 0 : i32
      %dma_start3A_24 = arith.constant 0 : i32
      %dma_start3A_25 = tpu.memref_slice %arg2[%dma_start3A_23, %dma_start3A_24] : memref<1040000x16xf32, #tpu.memory_space<hbm>> -> memref<1040000x16xf32, #tpu.memory_space<hbm>>
      tpu.enqueue_indirect_dma source(%dma_start3A_25 : memref<1040000x16xf32, #tpu.memory_space<hbm>>) target(%dma_start3A_19 : memref<128x16xf32, #tpu.memory_space<vmem>>) offsets(%dma_start3A_22 : memref<128xi32, #tpu.memory_space<vmem>>) semaphore(%arg7 : memref<!tpu.dma_semaphore, #tpu.memory_space<semaphore_mem>>)
      %dma_start3A_26 = arith.constant 1 : i32
      %dma_start3A_27 = arith.constant 128 : i32
      %dma_start3A_28 = arith.constant 0 : i32
      %dma_start3A_29 = tpu.memref_slice %arg6[%dma_start3A_27, %dma_start3A_28] : memref<1024x16xf32, #tpu.memory_space<vmem>> -> memref<128x16xf32, #tpu.memory_space<vmem>>
      %dma_start3A_30 = arith.constant 0 : i32
      %dma_start3A_31 = tpu.memref_slice %arg5[%dma_start3A_26, %dma_start3A_30] : memref<8x128xi32, #tpu.memory_space<vmem>> -> memref<1x128xi32, #tpu.memory_space<vmem>>
      %dma_start3A_32 = tpu.memref_squeeze %dma_start3A_31 : memref<1x128xi32, #tpu.memory_space<vmem>> -> memref<128xi32, #tpu.memory_space<vmem>>
      %dma_start3A_33 = arith.constant 0 : i32
      %dma_start3A_34 = arith.constant 0 : i32
      %dma_start3A_35 = tpu.memref_slice %arg2[%dma_start3A_33, %dma_start3A_34] : memref<1040000x16xf32, #tpu.memory_space<hbm>> -> memref<1040000x16xf32, #tpu.memory_space<hbm>>
      tpu.enqueue_indirect_dma source(%dma_start3A_35 : memref<1040000x16xf32, #tpu.memory_space<hbm>>) target(%dma_start3A_29 : memref<128x16xf32, #tpu.memory_space<vmem>>) offsets(%dma_start3A_32 : memref<128xi32, #tpu.memory_space<vmem>>) semaphore(%arg7 : memref<!tpu.dma_semaphore, #tpu.memory_space<semaphore_mem>>)
      %dma_start3A_36 = arith.constant 2 : i32
      %dma_start3A_37 = arith.constant 256 : i32
      %dma_start3A_38 = arith.constant 0 : i32
      %dma_start3A_39 = tpu.memref_slice %arg6[%dma_start3A_37, %dma_start3A_38] : memref<1024x16xf32, #tpu.memory_space<vmem>> -> memref<128x16xf32, #tpu.memory_space<vmem>>
      %dma_start3A_40 = arith.constant 0 : i32
      %dma_start3A_41 = tpu.memref_slice %arg5[%dma_start3A_36, %dma_start3A_40] : memref<8x128xi32, #tpu.memory_space<vmem>> -> memref<1x128xi32, #tpu.memory_space<vmem>>
      %dma_start3A_42 = tpu.memref_squeeze %dma_start3A_41 : memref<1x128xi32, #tpu.memory_space<vmem>> -> memref<128xi32, #tpu.memory_space<vmem>>
      %dma_start3A_43 = arith.constant 0 : i32
      %dma_start3A_44 = arith.constant 0 : i32
      %dma_start3A_45 = tpu.memref_slice %arg2[%dma_start3A_43, %dma_start3A_44] : memref<1040000x16xf32, #tpu.memory_space<hbm>> -> memref<1040000x16xf32, #tpu.memory_space<hbm>>
      tpu.enqueue_indirect_dma source(%dma_start3A_45 : memref<1040000x16xf32, #tpu.memory_space<hbm>>) target(%dma_start3A_39 : memref<128x16xf32, #tpu.memory_space<vmem>>) offsets(%dma_start3A_42 : memref<128xi32, #tpu.memory_space<vmem>>) semaphore(%arg7 : memref<!tpu.dma_semaphore, #tpu.memory_space<semaphore_mem>>)
      %dma_start3A_46 = arith.constant 3 : i32
      %dma_start3A_47 = arith.constant 384 : i32
      %dma_start3A_48 = arith.constant 0 : i32
      %dma_start3A_49 = tpu.memref_slice %arg6[%dma_start3A_47, %dma_start3A_48] : memref<1024x16xf32, #tpu.memory_space<vmem>> -> memref<128x16xf32, #tpu.memory_space<vmem>>
      %dma_start3A_50 = arith.constant 0 : i32
      %dma_start3A_51 = tpu.memref_slice %arg5[%dma_start3A_46, %dma_start3A_50] : memref<8x128xi32, #tpu.memory_space<vmem>> -> memref<1x128xi32, #tpu.memory_space<vmem>>
      %dma_start3A_52 = tpu.memref_squeeze %dma_start3A_51 : memref<1x128xi32, #tpu.memory_space<vmem>> -> memref<128xi32, #tpu.memory_space<vmem>>
      %dma_start3A_53 = arith.constant 0 : i32
      %dma_start3A_54 = arith.constant 0 : i32
      %dma_start3A_55 = tpu.memref_slice %arg2[%dma_start3A_53, %dma_start3A_54] : memref<1040000x16xf32, #tpu.memory_space<hbm>> -> memref<1040000x16xf32, #tpu.memory_space<hbm>>
      tpu.enqueue_indirect_dma source(%dma_start3A_55 : memref<1040000x16xf32, #tpu.memory_space<hbm>>) target(%dma_start3A_49 : memref<128x16xf32, #tpu.memory_space<vmem>>) offsets(%dma_start3A_52 : memref<128xi32, #tpu.memory_space<vmem>>) semaphore(%arg7 : memref<!tpu.dma_semaphore, #tpu.memory_space<semaphore_mem>>)
      %dma_start3A_56 = arith.constant 4 : i32
      %dma_start3A_57 = arith.constant 512 : i32
      %dma_start3A_58 = arith.constant 0 : i32
      %dma_start3A_59 = tpu.memref_slice %arg6[%dma_start3A_57, %dma_start3A_58] : memref<1024x16xf32, #tpu.memory_space<vmem>> -> memref<128x16xf32, #tpu.memory_space<vmem>>
      %dma_start3A_60 = arith.constant 0 : i32
      %dma_start3A_61 = tpu.memref_slice %arg5[%dma_start3A_56, %dma_start3A_60] : memref<8x128xi32, #tpu.memory_space<vmem>> -> memref<1x128xi32, #tpu.memory_space<vmem>>
      %dma_start3A_62 = tpu.memref_squeeze %dma_start3A_61 : memref<1x128xi32, #tpu.memory_space<vmem>> -> memref<128xi32, #tpu.memory_space<vmem>>
      %dma_start3A_63 = arith.constant 0 : i32
      %dma_start3A_64 = arith.constant 0 : i32
      %dma_start3A_65 = tpu.memref_slice %arg2[%dma_start3A_63, %dma_start3A_64] : memref<1040000x16xf32, #tpu.memory_space<hbm>> -> memref<1040000x16xf32, #tpu.memory_space<hbm>>
      tpu.enqueue_indirect_dma source(%dma_start3A_65 : memref<1040000x16xf32, #tpu.memory_space<hbm>>) target(%dma_start3A_59 : memref<128x16xf32, #tpu.memory_space<vmem>>) offsets(%dma_start3A_62 : memref<128xi32, #tpu.memory_space<vmem>>) semaphore(%arg7 : memref<!tpu.dma_semaphore, #tpu.memory_space<semaphore_mem>>)
      %dma_start3A_66 = arith.constant 5 : i32
      %dma_start3A_67 = arith.constant 640 : i32
      %dma_start3A_68 = arith.constant 0 : i32
      %dma_start3A_69 = tpu.memref_slice %arg6[%dma_start3A_67, %dma_start3A_68] : memref<1024x16xf32, #tpu.memory_space<vmem>> -> memref<128x16xf32, #tpu.memory_space<vmem>>
      %dma_start3A_70 = arith.constant 0 : i32
      %dma_start3A_71 = tpu.memref_slice %arg5[%dma_start3A_66, %dma_start3A_70] : memref<8x128xi32, #tpu.memory_space<vmem>> -> memref<1x128xi32, #tpu.memory_space<vmem>>
      %dma_start3A_72 = tpu.memref_squeeze %dma_start3A_71 : memref<1x128xi32, #tpu.memory_space<vmem>> -> memref<128xi32, #tpu.memory_space<vmem>>
      %dma_start3A_73 = arith.constant 0 : i32
      %dma_start3A_74 = arith.constant 0 : i32
      %dma_start3A_75 = tpu.memref_slice %arg2[%dma_start3A_73, %dma_start3A_74] : memref<1040000x16xf32, #tpu.memory_space<hbm>> -> memref<1040000x16xf32, #tpu.memory_space<hbm>>
      tpu.enqueue_indirect_dma source(%dma_start3A_75 : memref<1040000x16xf32, #tpu.memory_space<hbm>>) target(%dma_start3A_69 : memref<128x16xf32, #tpu.memory_space<vmem>>) offsets(%dma_start3A_72 : memref<128xi32, #tpu.memory_space<vmem>>) semaphore(%arg7 : memref<!tpu.dma_semaphore, #tpu.memory_space<semaphore_mem>>)
      %dma_start3A_76 = arith.constant 6 : i32
      %dma_start3A_77 = arith.constant 768 : i32
      %dma_start3A_78 = arith.constant 0 : i32
      %dma_start3A_79 = tpu.memref_slice %arg6[%dma_start3A_77, %dma_start3A_78] : memref<1024x16xf32, #tpu.memory_space<vmem>> -> memref<128x16xf32, #tpu.memory_space<vmem>>
      %dma_start3A_80 = arith.constant 0 : i32
      %dma_start3A_81 = tpu.memref_slice %arg5[%dma_start3A_76, %dma_start3A_80] : memref<8x128xi32, #tpu.memory_space<vmem>> -> memref<1x128xi32, #tpu.memory_space<vmem>>
      %dma_start3A_82 = tpu.memref_squeeze %dma_start3A_81 : memref<1x128xi32, #tpu.memory_space<vmem>> -> memref<128xi32, #tpu.memory_space<vmem>>
      %dma_start3A_83 = arith.constant 0 : i32
      %dma_start3A_84 = arith.constant 0 : i32
      %dma_start3A_85 = tpu.memref_slice %arg2[%dma_start3A_83, %dma_start3A_84] : memref<1040000x16xf32, #tpu.memory_space<hbm>> -> memref<1040000x16xf32, #tpu.memory_space<hbm>>
      tpu.enqueue_indirect_dma source(%dma_start3A_85 : memref<1040000x16xf32, #tpu.memory_space<hbm>>) target(%dma_start3A_79 : memref<128x16xf32, #tpu.memory_space<vmem>>) offsets(%dma_start3A_82 : memref<128xi32, #tpu.memory_space<vmem>>) semaphore(%arg7 : memref<!tpu.dma_semaphore, #tpu.memory_space<semaphore_mem>>)
      %dma_start3A_86 = arith.constant 7 : i32
      %dma_start3A_87 = arith.constant 896 : i32
      %dma_start3A_88 = arith.constant 0 : i32
      %dma_start3A_89 = tpu.memref_slice %arg6[%dma_start3A_87, %dma_start3A_88] : memref<1024x16xf32, #tpu.memory_space<vmem>> -> memref<128x16xf32, #tpu.memory_space<vmem>>
      %dma_start3A_90 = arith.constant 0 : i32
      %dma_start3A_91 = tpu.memref_slice %arg5[%dma_start3A_86, %dma_start3A_90] : memref<8x128xi32, #tpu.memory_space<vmem>> -> memref<1x128xi32, #tpu.memory_space<vmem>>
      %dma_start3A_92 = tpu.memref_squeeze %dma_start3A_91 : memref<1x128xi32, #tpu.memory_space<vmem>> -> memref<128xi32, #tpu.memory_space<vmem>>
      %dma_start3A_93 = arith.constant 0 : i32
      %dma_start3A_94 = arith.constant 0 : i32
      %dma_start3A_95 = tpu.memref_slice %arg2[%dma_start3A_93, %dma_start3A_94] : memref<1040000x16xf32, #tpu.memory_space<hbm>> -> memref<1040000x16xf32, #tpu.memory_space<hbm>>
      tpu.enqueue_indirect_dma source(%dma_start3A_95 : memref<1040000x16xf32, #tpu.memory_space<hbm>>) target(%dma_start3A_89 : memref<128x16xf32, #tpu.memory_space<vmem>>) offsets(%dma_start3A_92 : memref<128xi32, #tpu.memory_space<vmem>>) semaphore(%arg7 : memref<!tpu.dma_semaphore, #tpu.memory_space<semaphore_mem>>)
      %dma_wait3A = arith.constant 0 : i32
      %dma_wait3A_96 = arith.constant 0 : i32
      %dma_wait3A_97 = arith.constant 0 : i32
      %dma_wait3A_98 = tpu.memref_slice %arg6[%dma_wait3A_96, %dma_wait3A_97] : memref<1024x16xf32, #tpu.memory_space<vmem>> -> memref<128x16xf32, #tpu.memory_space<vmem>>
      %dma_wait3A_99 = arith.constant 0 : i32
      %dma_wait3A_100 = tpu.memref_slice %arg5[%dma_wait3A, %dma_wait3A_99] : memref<8x128xi32, #tpu.memory_space<vmem>> -> memref<1x128xi32, #tpu.memory_space<vmem>>
      %dma_wait3A_101 = tpu.memref_squeeze %dma_wait3A_100 : memref<1x128xi32, #tpu.memory_space<vmem>> -> memref<128xi32, #tpu.memory_space<vmem>>
      %dma_wait3A_102 = arith.constant 0 : i32
      %dma_wait3A_103 = arith.constant 0 : i32
      %dma_wait3A_104 = tpu.memref_slice %arg2[%dma_wait3A_102, %dma_wait3A_103] : memref<1040000x16xf32, #tpu.memory_space<hbm>> -> memref<1040000x16xf32, #tpu.memory_space<hbm>>
      tpu.wait_indirect_dma semaphore(%arg7 : memref<!tpu.dma_semaphore, #tpu.memory_space<semaphore_mem>>) src(%dma_wait3A_104 : memref<1040000x16xf32, #tpu.memory_space<hbm>>) dst(%dma_wait3A_98 : memref<128x16xf32, #tpu.memory_space<vmem>>)
      %dma_wait3A_105 = arith.constant 1 : i32
      %dma_wait3A_106 = arith.constant 128 : i32
      %dma_wait3A_107 = arith.constant 0 : i32
      %dma_wait3A_108 = tpu.memref_slice %arg6[%dma_wait3A_106, %dma_wait3A_107] : memref<1024x16xf32, #tpu.memory_space<vmem>> -> memref<128x16xf32, #tpu.memory_space<vmem>>
      %dma_wait3A_109 = arith.constant 0 : i32
      %dma_wait3A_110 = tpu.memref_slice %arg5[%dma_wait3A_105, %dma_wait3A_109] : memref<8x128xi32, #tpu.memory_space<vmem>> -> memref<1x128xi32, #tpu.memory_space<vmem>>
      %dma_wait3A_111 = tpu.memref_squeeze %dma_wait3A_110 : memref<1x128xi32, #tpu.memory_space<vmem>> -> memref<128xi32, #tpu.memory_space<vmem>>
      %dma_wait3A_112 = arith.constant 0 : i32
      %dma_wait3A_113 = arith.constant 0 : i32
      %dma_wait3A_114 = tpu.memref_slice %arg2[%dma_wait3A_112, %dma_wait3A_113] : memref<1040000x16xf32, #tpu.memory_space<hbm>> -> memref<1040000x16xf32, #tpu.memory_space<hbm>>
      tpu.wait_indirect_dma semaphore(%arg7 : memref<!tpu.dma_semaphore, #tpu.memory_space<semaphore_mem>>) src(%dma_wait3A_114 : memref<1040000x16xf32, #tpu.memory_space<hbm>>) dst(%dma_wait3A_108 : memref<128x16xf32, #tpu.memory_space<vmem>>)
      %dma_wait3A_115 = arith.constant 2 : i32
      %dma_wait3A_116 = arith.constant 256 : i32
      %dma_wait3A_117 = arith.constant 0 : i32
      %dma_wait3A_118 = tpu.memref_slice %arg6[%dma_wait3A_116, %dma_wait3A_117] : memref<1024x16xf32, #tpu.memory_space<vmem>> -> memref<128x16xf32, #tpu.memory_space<vmem>>
      %dma_wait3A_119 = arith.constant 0 : i32
      %dma_wait3A_120 = tpu.memref_slice %arg5[%dma_wait3A_115, %dma_wait3A_119] : memref<8x128xi32, #tpu.memory_space<vmem>> -> memref<1x128xi32, #tpu.memory_space<vmem>>
      %dma_wait3A_121 = tpu.memref_squeeze %dma_wait3A_120 : memref<1x128xi32, #tpu.memory_space<vmem>> -> memref<128xi32, #tpu.memory_space<vmem>>
      %dma_wait3A_122 = arith.constant 0 : i32
      %dma_wait3A_123 = arith.constant 0 : i32
      %dma_wait3A_124 = tpu.memref_slice %arg2[%dma_wait3A_122, %dma_wait3A_123] : memref<1040000x16xf32, #tpu.memory_space<hbm>> -> memref<1040000x16xf32, #tpu.memory_space<hbm>>
      tpu.wait_indirect_dma semaphore(%arg7 : memref<!tpu.dma_semaphore, #tpu.memory_space<semaphore_mem>>) src(%dma_wait3A_124 : memref<1040000x16xf32, #tpu.memory_space<hbm>>) dst(%dma_wait3A_118 : memref<128x16xf32, #tpu.memory_space<vmem>>)
      %dma_wait3A_125 = arith.constant 3 : i32
      %dma_wait3A_126 = arith.constant 384 : i32
      %dma_wait3A_127 = arith.constant 0 : i32
      %dma_wait3A_128 = tpu.memref_slice %arg6[%dma_wait3A_126, %dma_wait3A_127] : memref<1024x16xf32, #tpu.memory_space<vmem>> -> memref<128x16xf32, #tpu.memory_space<vmem>>
      %dma_wait3A_129 = arith.constant 0 : i32
      %dma_wait3A_130 = tpu.memref_slice %arg5[%dma_wait3A_125, %dma_wait3A_129] : memref<8x128xi32, #tpu.memory_space<vmem>> -> memref<1x128xi32, #tpu.memory_space<vmem>>
      %dma_wait3A_131 = tpu.memref_squeeze %dma_wait3A_130 : memref<1x128xi32, #tpu.memory_space<vmem>> -> memref<128xi32, #tpu.memory_space<vmem>>
      %dma_wait3A_132 = arith.constant 0 : i32
      %dma_wait3A_133 = arith.constant 0 : i32
      %dma_wait3A_134 = tpu.memref_slice %arg2[%dma_wait3A_132, %dma_wait3A_133] : memref<1040000x16xf32, #tpu.memory_space<hbm>> -> memref<1040000x16xf32, #tpu.memory_space<hbm>>
      tpu.wait_indirect_dma semaphore(%arg7 : memref<!tpu.dma_semaphore, #tpu.memory_space<semaphore_mem>>) src(%dma_wait3A_134 : memref<1040000x16xf32, #tpu.memory_space<hbm>>) dst(%dma_wait3A_128 : memref<128x16xf32, #tpu.memory_space<vmem>>)
      %dma_wait3A_135 = arith.constant 4 : i32
      %dma_wait3A_136 = arith.constant 512 : i32
      %dma_wait3A_137 = arith.constant 0 : i32
      %dma_wait3A_138 = tpu.memref_slice %arg6[%dma_wait3A_136, %dma_wait3A_137] : memref<1024x16xf32, #tpu.memory_space<vmem>> -> memref<128x16xf32, #tpu.memory_space<vmem>>
      %dma_wait3A_139 = arith.constant 0 : i32
      %dma_wait3A_140 = tpu.memref_slice %arg5[%dma_wait3A_135, %dma_wait3A_139] : memref<8x128xi32, #tpu.memory_space<vmem>> -> memref<1x128xi32, #tpu.memory_space<vmem>>
      %dma_wait3A_141 = tpu.memref_squeeze %dma_wait3A_140 : memref<1x128xi32, #tpu.memory_space<vmem>> -> memref<128xi32, #tpu.memory_space<vmem>>
      %dma_wait3A_142 = arith.constant 0 : i32
      %dma_wait3A_143 = arith.constant 0 : i32
      %dma_wait3A_144 = tpu.memref_slice %arg2[%dma_wait3A_142, %dma_wait3A_143] : memref<1040000x16xf32, #tpu.memory_space<hbm>> -> memref<1040000x16xf32, #tpu.memory_space<hbm>>
      tpu.wait_indirect_dma semaphore(%arg7 : memref<!tpu.dma_semaphore, #tpu.memory_space<semaphore_mem>>) src(%dma_wait3A_144 : memref<1040000x16xf32, #tpu.memory_space<hbm>>) dst(%dma_wait3A_138 : memref<128x16xf32, #tpu.memory_space<vmem>>)
      %dma_wait3A_145 = arith.constant 5 : i32
      %dma_wait3A_146 = arith.constant 640 : i32
      %dma_wait3A_147 = arith.constant 0 : i32
      %dma_wait3A_148 = tpu.memref_slice %arg6[%dma_wait3A_146, %dma_wait3A_147] : memref<1024x16xf32, #tpu.memory_space<vmem>> -> memref<128x16xf32, #tpu.memory_space<vmem>>
      %dma_wait3A_149 = arith.constant 0 : i32
      %dma_wait3A_150 = tpu.memref_slice %arg5[%dma_wait3A_145, %dma_wait3A_149] : memref<8x128xi32, #tpu.memory_space<vmem>> -> memref<1x128xi32, #tpu.memory_space<vmem>>
      %dma_wait3A_151 = tpu.memref_squeeze %dma_wait3A_150 : memref<1x128xi32, #tpu.memory_space<vmem>> -> memref<128xi32, #tpu.memory_space<vmem>>
      %dma_wait3A_152 = arith.constant 0 : i32
      %dma_wait3A_153 = arith.constant 0 : i32
      %dma_wait3A_154 = tpu.memref_slice %arg2[%dma_wait3A_152, %dma_wait3A_153] : memref<1040000x16xf32, #tpu.memory_space<hbm>> -> memref<1040000x16xf32, #tpu.memory_space<hbm>>
      tpu.wait_indirect_dma semaphore(%arg7 : memref<!tpu.dma_semaphore, #tpu.memory_space<semaphore_mem>>) src(%dma_wait3A_154 : memref<1040000x16xf32, #tpu.memory_space<hbm>>) dst(%dma_wait3A_148 : memref<128x16xf32, #tpu.memory_space<vmem>>)
      %dma_wait3A_155 = arith.constant 6 : i32
      %dma_wait3A_156 = arith.constant 768 : i32
      %dma_wait3A_157 = arith.constant 0 : i32
      %dma_wait3A_158 = tpu.memref_slice %arg6[%dma_wait3A_156, %dma_wait3A_157] : memref<1024x16xf32, #tpu.memory_space<vmem>> -> memref<128x16xf32, #tpu.memory_space<vmem>>
      %dma_wait3A_159 = arith.constant 0 : i32
      %dma_wait3A_160 = tpu.memref_slice %arg5[%dma_wait3A_155, %dma_wait3A_159] : memref<8x128xi32, #tpu.memory_space<vmem>> -> memref<1x128xi32, #tpu.memory_space<vmem>>
      %dma_wait3A_161 = tpu.memref_squeeze %dma_wait3A_160 : memref<1x128xi32, #tpu.memory_space<vmem>> -> memref<128xi32, #tpu.memory_space<vmem>>
      %dma_wait3A_162 = arith.constant 0 : i32
      %dma_wait3A_163 = arith.constant 0 : i32
      %dma_wait3A_164 = tpu.memref_slice %arg2[%dma_wait3A_162, %dma_wait3A_163] : memref<1040000x16xf32, #tpu.memory_space<hbm>> -> memref<1040000x16xf32, #tpu.memory_space<hbm>>
      tpu.wait_indirect_dma semaphore(%arg7 : memref<!tpu.dma_semaphore, #tpu.memory_space<semaphore_mem>>) src(%dma_wait3A_164 : memref<1040000x16xf32, #tpu.memory_space<hbm>>) dst(%dma_wait3A_158 : memref<128x16xf32, #tpu.memory_space<vmem>>)
      %dma_wait3A_165 = arith.constant 7 : i32
      %dma_wait3A_166 = arith.constant 896 : i32
      %dma_wait3A_167 = arith.constant 0 : i32
      %dma_wait3A_168 = tpu.memref_slice %arg6[%dma_wait3A_166, %dma_wait3A_167] : memref<1024x16xf32, #tpu.memory_space<vmem>> -> memref<128x16xf32, #tpu.memory_space<vmem>>
      %dma_wait3A_169 = arith.constant 0 : i32
      %dma_wait3A_170 = tpu.memref_slice %arg5[%dma_wait3A_165, %dma_wait3A_169] : memref<8x128xi32, #tpu.memory_space<vmem>> -> memref<1x128xi32, #tpu.memory_space<vmem>>
      %dma_wait3A_171 = tpu.memref_squeeze %dma_wait3A_170 : memref<1x128xi32, #tpu.memory_space<vmem>> -> memref<128xi32, #tpu.memory_space<vmem>>
      %dma_wait3A_172 = arith.constant 0 : i32
      %dma_wait3A_173 = arith.constant 0 : i32
      %dma_wait3A_174 = tpu.memref_slice %arg2[%dma_wait3A_172, %dma_wait3A_173] : memref<1040000x16xf32, #tpu.memory_space<hbm>> -> memref<1040000x16xf32, #tpu.memory_space<hbm>>
      tpu.wait_indirect_dma semaphore(%arg7 : memref<!tpu.dma_semaphore, #tpu.memory_space<semaphore_mem>>) src(%dma_wait3A_174 : memref<1040000x16xf32, #tpu.memory_space<hbm>>) dst(%dma_wait3A_168 : memref<128x16xf32, #tpu.memory_space<vmem>>)
      "tpu.region"() ({
        %run_scoped3A = tpu.sem_alloc : memref<!tpu.dma_semaphore, #tpu.memory_space<semaphore_mem>>
        %dma_start3A_175 = arith.constant 0 : i32
        %dma_start3A_176 = tpu.memref_slice %arg4[%add3A_11, %dma_start3A_175] : memref<425984x16xf32, #tpu.memory_space<hbm>> -> memref<1024x16xf32, #tpu.memory_space<hbm>>
        %dma_start3A_177 = arith.constant 0 : i32
        %dma_start3A_178 = tpu.memref_slice %arg4[%add3A_11, %dma_start3A_177] : memref<425984x16xf32, #tpu.memory_space<hbm>> -> memref<1024x16xf32, #tpu.memory_space<hbm>>
        tpu.enqueue_dma source(%arg6 : memref<1024x16xf32, #tpu.memory_space<vmem>>) target(%dma_start3A_178 : memref<1024x16xf32, #tpu.memory_space<hbm>>) target_semaphore(%run_scoped3A : memref<!tpu.dma_semaphore, #tpu.memory_space<semaphore_mem>>)
        %dma_wait3A_179 = arith.constant 0 : i32
        %dma_wait3A_180 = tpu.memref_slice %arg4[%add3A_11, %dma_wait3A_179] : memref<425984x16xf32, #tpu.memory_space<hbm>> -> memref<1024x16xf32, #tpu.memory_space<hbm>>
        %dma_wait3A_181 = arith.constant 0 : i32
        %dma_wait3A_182 = tpu.memref_slice %arg4[%add3A_11, %dma_wait3A_181] : memref<425984x16xf32, #tpu.memory_space<hbm>> -> memref<1024x16xf32, #tpu.memory_space<hbm>>
        tpu.wait_dma2 semaphore(%run_scoped3A : memref<!tpu.dma_semaphore, #tpu.memory_space<semaphore_mem>>) src(%arg6 : memref<1024x16xf32, #tpu.memory_space<vmem>>) dst(%dma_wait3A_182 : memref<1024x16xf32, #tpu.memory_space<hbm>>)
        tpu.yield
      }) : () -> ()
    }
    %scan3A_5 = arith.constant 13 : i32
    return
  }
}

module attributes {stable_mosaic.version = 14 : i64} {
  func.func @_tc_body(%arg0: i32, %arg1: memref<512x416xf32, #tpu.memory_space<vmem>>, %arg2: memref<1024x832xbf16, #tpu.memory_space<vmem>>, %arg3: memref<1024x1xf32, #tpu.memory_space<vmem>>, %arg4: memref<512x1024xbf16, #tpu.memory_space<vmem>>, %arg5: memref<512x1xf32, #tpu.memory_space<vmem>>, %arg6: memref<256x512xbf16, #tpu.memory_space<vmem>>, %arg7: memref<256x1xf32, #tpu.memory_space<vmem>>, %arg8: memref<8x256xbf16, #tpu.memory_space<vmem>>, %arg9: memref<8x1xf32, #tpu.memory_space<vmem>>, %arg10: memref<512xf32, #tpu.memory_space<vmem>>) attributes {dimension_semantics = [#tpu.dimension_semantics<arbitrary>], iteration_bounds = array<i64: 32>, scalar_prefetch = 0 : i64, scratch_operands = 0 : i64, tpu.core_type = #tpu.core_type<tc>, window_params = [{transform_indices = @transform_0, window_bounds = array<i64: 512, 416>}, {pipeline_mode = #tpu.pipeline_mode<synchronous>, transform_indices = @transform_1, window_bounds = array<i64: 1024, 832>}, {pipeline_mode = #tpu.pipeline_mode<synchronous>, transform_indices = @transform_2, window_bounds = array<i64: 1024, 1>}, {pipeline_mode = #tpu.pipeline_mode<synchronous>, transform_indices = @transform_3, window_bounds = array<i64: 512, 1024>}, {pipeline_mode = #tpu.pipeline_mode<synchronous>, transform_indices = @transform_4, window_bounds = array<i64: 512, 1>}, {pipeline_mode = #tpu.pipeline_mode<synchronous>, transform_indices = @transform_5, window_bounds = array<i64: 256, 512>}, {pipeline_mode = #tpu.pipeline_mode<synchronous>, transform_indices = @transform_6, window_bounds = array<i64: 256, 1>}, {pipeline_mode = #tpu.pipeline_mode<synchronous>, transform_indices = @transform_7, window_bounds = array<i64: 8, 256>}, {pipeline_mode = #tpu.pipeline_mode<synchronous>, transform_indices = @transform_8, window_bounds = array<i64: 8, 1>}, {transform_indices = @transform_9, window_bounds = array<i64: 512>}]} {
    %get3A = arith.constant 0 : index
    %get3A_0 = arith.constant 0 : index
    %get3A_1 = vector.load %arg1[%get3A, %get3A_0] : memref<512x416xf32, #tpu.memory_space<vmem>>, vector<512x416xf32>
    %transpose3A = tpu.transpose %get3A_1, [1, 0] : vector<512x416xf32> -> vector<416x512xf32>
    %reshape3A = vector.shape_cast %transpose3A : vector<416x512xf32> to vector<26x16x512xf32>
    %reduce_sum3A = arith.constant dense<0.000000e+00> : vector<26x512xf32>
    %reduce_sum3A_2 = vector.multi_reduction <add>, %reshape3A, %reduce_sum3A [1] : vector<26x16x512xf32> to vector<26x512xf32>
    %broadcast_in_dim3A = vector.shape_cast %reduce_sum3A_2 : vector<26x512xf32> to vector<26x1x512xf32>
    %div3A = arith.constant 1.600000e+01 : f32
    %div3A_3 = vector.broadcast %div3A : f32 to vector<26x1x512xf32>
    %div3A_4 = arith.divf %broadcast_in_dim3A, %div3A_3 : vector<26x1x512xf32>
    %sub3A = vector.broadcast %div3A_4 : vector<26x1x512xf32> to vector<26x16x512xf32>
    %sub3A_5 = arith.subf %reshape3A, %sub3A : vector<26x16x512xf32>
    %mul3A = arith.mulf %sub3A_5, %sub3A_5 : vector<26x16x512xf32>
    %reduce_sum3A_6 = arith.constant dense<0.000000e+00> : vector<26x512xf32>
    %reduce_sum3A_7 = vector.multi_reduction <add>, %mul3A, %reduce_sum3A_6 [1] : vector<26x16x512xf32> to vector<26x512xf32>
    %broadcast_in_dim3A_8 = vector.shape_cast %reduce_sum3A_7 : vector<26x512xf32> to vector<26x1x512xf32>
    %div3A_9 = arith.constant 1.600000e+01 : f32
    %div3A_10 = vector.broadcast %div3A_9 : f32 to vector<26x1x512xf32>
    %div3A_11 = arith.divf %broadcast_in_dim3A_8, %div3A_10 : vector<26x1x512xf32>
    %add3A = arith.constant 9.99999974E-6 : f32
    %add3A_12 = vector.broadcast %add3A : f32 to vector<26x1x512xf32>
    %add3A_13 = arith.addf %div3A_11, %add3A_12 : vector<26x1x512xf32>
    %rsqrt3A = math.rsqrt %add3A_13 : vector<26x1x512xf32>
    %mul3A_14 = vector.broadcast %rsqrt3A : vector<26x1x512xf32> to vector<26x16x512xf32>
    %mul3A_15 = arith.mulf %sub3A_5, %mul3A_14 : vector<26x16x512xf32>
    %reshape3A_16 = vector.shape_cast %mul3A_15 : vector<26x16x512xf32> to vector<416x512xf32>
    %slice3A = vector.extract_strided_slice %reshape3A_16 {offsets = [0, 0], sizes = [400, 512], strides = [1, 1]} : vector<416x512xf32> to vector<400x512xf32>
    %slice3A_17 = vector.extract_strided_slice %reshape3A_16 {offsets = [16, 0], sizes = [400, 512], strides = [1, 1]} : vector<416x512xf32> to vector<400x512xf32>
    %mul3A_18 = arith.mulf %slice3A, %slice3A_17 : vector<400x512xf32>
    %reshape3A_19 = vector.shape_cast %mul3A_18 : vector<400x512xf32> to vector<25x16x512xf32>
    %reduce_sum3A_20 = arith.constant dense<0.000000e+00> : vector<25x512xf32>
    %reduce_sum3A_21 = vector.multi_reduction <add>, %reshape3A_19, %reduce_sum3A_20 [1] : vector<25x16x512xf32> to vector<25x512xf32>
    %broadcast_in_dim3A_22 = arith.constant 0.000000e+00 : f32
    %broadcast_in_dim3A_23 = vector.broadcast %broadcast_in_dim3A_22 : f32 to vector<7x512xf32>
    %concatenate3A = tpu.concatenate %reduce_sum3A_21, %broadcast_in_dim3A_23 in 0 : vector<25x512xf32>, vector<7x512xf32> -> vector<32x512xf32>
    %slice3A_24 = vector.extract_strided_slice %reshape3A_16 {offsets = [0, 0], sizes = [384, 512], strides = [1, 1]} : vector<416x512xf32> to vector<384x512xf32>
    %slice3A_25 = vector.extract_strided_slice %reshape3A_16 {offsets = [32, 0], sizes = [384, 512], strides = [1, 1]} : vector<416x512xf32> to vector<384x512xf32>
    %mul3A_26 = arith.mulf %slice3A_24, %slice3A_25 : vector<384x512xf32>
    %reshape3A_27 = vector.shape_cast %mul3A_26 : vector<384x512xf32> to vector<24x16x512xf32>
    %reduce_sum3A_28 = arith.constant dense<0.000000e+00> : vector<24x512xf32>
    %reduce_sum3A_29 = vector.multi_reduction <add>, %reshape3A_27, %reduce_sum3A_28 [1] : vector<24x16x512xf32> to vector<24x512xf32>
    %slice3A_30 = vector.extract_strided_slice %reshape3A_16 {offsets = [0, 0], sizes = [368, 512], strides = [1, 1]} : vector<416x512xf32> to vector<368x512xf32>
    %slice3A_31 = vector.extract_strided_slice %reshape3A_16 {offsets = [48, 0], sizes = [368, 512], strides = [1, 1]} : vector<416x512xf32> to vector<368x512xf32>
    %mul3A_32 = arith.mulf %slice3A_30, %slice3A_31 : vector<368x512xf32>
    %reshape3A_33 = vector.shape_cast %mul3A_32 : vector<368x512xf32> to vector<23x16x512xf32>
    %reduce_sum3A_34 = arith.constant dense<0.000000e+00> : vector<23x512xf32>
    %reduce_sum3A_35 = vector.multi_reduction <add>, %reshape3A_33, %reduce_sum3A_34 [1] : vector<23x16x512xf32> to vector<23x512xf32>
    %broadcast_in_dim3A_36 = arith.constant 0.000000e+00 : f32
    %broadcast_in_dim3A_37 = vector.broadcast %broadcast_in_dim3A_36 : f32 to vector<1x512xf32>
    %concatenate3A_38 = tpu.concatenate %reduce_sum3A_35, %broadcast_in_dim3A_37 in 0 : vector<23x512xf32>, vector<1x512xf32> -> vector<24x512xf32>
    %slice3A_39 = vector.extract_strided_slice %reshape3A_16 {offsets = [0, 0], sizes = [352, 512], strides = [1, 1]} : vector<416x512xf32> to vector<352x512xf32>
    %slice3A_40 = vector.extract_strided_slice %reshape3A_16 {offsets = [64, 0], sizes = [352, 512], strides = [1, 1]} : vector<416x512xf32> to vector<352x512xf32>
    %mul3A_41 = arith.mulf %slice3A_39, %slice3A_40 : vector<352x512xf32>
    %reshape3A_42 = vector.shape_cast %mul3A_41 : vector<352x512xf32> to vector<22x16x512xf32>
    %reduce_sum3A_43 = arith.constant dense<0.000000e+00> : vector<22x512xf32>
    %reduce_sum3A_44 = vector.multi_reduction <add>, %reshape3A_42, %reduce_sum3A_43 [1] : vector<22x16x512xf32> to vector<22x512xf32>
    %broadcast_in_dim3A_45 = arith.constant 0.000000e+00 : f32
    %broadcast_in_dim3A_46 = vector.broadcast %broadcast_in_dim3A_45 : f32 to vector<2x512xf32>
    %concatenate3A_47 = tpu.concatenate %reduce_sum3A_44, %broadcast_in_dim3A_46 in 0 : vector<22x512xf32>, vector<2x512xf32> -> vector<24x512xf32>
    %slice3A_48 = vector.extract_strided_slice %reshape3A_16 {offsets = [0, 0], sizes = [336, 512], strides = [1, 1]} : vector<416x512xf32> to vector<336x512xf32>
    %slice3A_49 = vector.extract_strided_slice %reshape3A_16 {offsets = [80, 0], sizes = [336, 512], strides = [1, 1]} : vector<416x512xf32> to vector<336x512xf32>
    %mul3A_50 = arith.mulf %slice3A_48, %slice3A_49 : vector<336x512xf32>
    %reshape3A_51 = vector.shape_cast %mul3A_50 : vector<336x512xf32> to vector<21x16x512xf32>
    %reduce_sum3A_52 = arith.constant dense<0.000000e+00> : vector<21x512xf32>
    %reduce_sum3A_53 = vector.multi_reduction <add>, %reshape3A_51, %reduce_sum3A_52 [1] : vector<21x16x512xf32> to vector<21x512xf32>
    %broadcast_in_dim3A_54 = arith.constant 0.000000e+00 : f32
    %broadcast_in_dim3A_55 = vector.broadcast %broadcast_in_dim3A_54 : f32 to vector<3x512xf32>
    %concatenate3A_56 = tpu.concatenate %reduce_sum3A_53, %broadcast_in_dim3A_55 in 0 : vector<21x512xf32>, vector<3x512xf32> -> vector<24x512xf32>
    %slice3A_57 = vector.extract_strided_slice %reshape3A_16 {offsets = [0, 0], sizes = [320, 512], strides = [1, 1]} : vector<416x512xf32> to vector<320x512xf32>
    %slice3A_58 = vector.extract_strided_slice %reshape3A_16 {offsets = [96, 0], sizes = [320, 512], strides = [1, 1]} : vector<416x512xf32> to vector<320x512xf32>
    %mul3A_59 = arith.mulf %slice3A_57, %slice3A_58 : vector<320x512xf32>
    %reshape3A_60 = vector.shape_cast %mul3A_59 : vector<320x512xf32> to vector<20x16x512xf32>
    %reduce_sum3A_61 = arith.constant dense<0.000000e+00> : vector<20x512xf32>
    %reduce_sum3A_62 = vector.multi_reduction <add>, %reshape3A_60, %reduce_sum3A_61 [1] : vector<20x16x512xf32> to vector<20x512xf32>
    %broadcast_in_dim3A_63 = arith.constant 0.000000e+00 : f32
    %broadcast_in_dim3A_64 = vector.broadcast %broadcast_in_dim3A_63 : f32 to vector<4x512xf32>
    %concatenate3A_65 = tpu.concatenate %reduce_sum3A_62, %broadcast_in_dim3A_64 in 0 : vector<20x512xf32>, vector<4x512xf32> -> vector<24x512xf32>
    %slice3A_66 = vector.extract_strided_slice %reshape3A_16 {offsets = [0, 0], sizes = [304, 512], strides = [1, 1]} : vector<416x512xf32> to vector<304x512xf32>
    %slice3A_67 = vector.extract_strided_slice %reshape3A_16 {offsets = [112, 0], sizes = [304, 512], strides = [1, 1]} : vector<416x512xf32> to vector<304x512xf32>
    %mul3A_68 = arith.mulf %slice3A_66, %slice3A_67 : vector<304x512xf32>
    %reshape3A_69 = vector.shape_cast %mul3A_68 : vector<304x512xf32> to vector<19x16x512xf32>
    %reduce_sum3A_70 = arith.constant dense<0.000000e+00> : vector<19x512xf32>
    %reduce_sum3A_71 = vector.multi_reduction <add>, %reshape3A_69, %reduce_sum3A_70 [1] : vector<19x16x512xf32> to vector<19x512xf32>
    %broadcast_in_dim3A_72 = arith.constant 0.000000e+00 : f32
    %broadcast_in_dim3A_73 = vector.broadcast %broadcast_in_dim3A_72 : f32 to vector<5x512xf32>
    %concatenate3A_74 = tpu.concatenate %reduce_sum3A_71, %broadcast_in_dim3A_73 in 0 : vector<19x512xf32>, vector<5x512xf32> -> vector<24x512xf32>
    %slice3A_75 = vector.extract_strided_slice %reshape3A_16 {offsets = [0, 0], sizes = [288, 512], strides = [1, 1]} : vector<416x512xf32> to vector<288x512xf32>
    %slice3A_76 = vector.extract_strided_slice %reshape3A_16 {offsets = [128, 0], sizes = [288, 512], strides = [1, 1]} : vector<416x512xf32> to vector<288x512xf32>
    %mul3A_77 = arith.mulf %slice3A_75, %slice3A_76 : vector<288x512xf32>
    %reshape3A_78 = vector.shape_cast %mul3A_77 : vector<288x512xf32> to vector<18x16x512xf32>
    %reduce_sum3A_79 = arith.constant dense<0.000000e+00> : vector<18x512xf32>
    %reduce_sum3A_80 = vector.multi_reduction <add>, %reshape3A_78, %reduce_sum3A_79 [1] : vector<18x16x512xf32> to vector<18x512xf32>
    %broadcast_in_dim3A_81 = arith.constant 0.000000e+00 : f32
    %broadcast_in_dim3A_82 = vector.broadcast %broadcast_in_dim3A_81 : f32 to vector<6x512xf32>
    %concatenate3A_83 = tpu.concatenate %reduce_sum3A_80, %broadcast_in_dim3A_82 in 0 : vector<18x512xf32>, vector<6x512xf32> -> vector<24x512xf32>
    %slice3A_84 = vector.extract_strided_slice %reshape3A_16 {offsets = [0, 0], sizes = [272, 512], strides = [1, 1]} : vector<416x512xf32> to vector<272x512xf32>
    %slice3A_85 = vector.extract_strided_slice %reshape3A_16 {offsets = [144, 0], sizes = [272, 512], strides = [1, 1]} : vector<416x512xf32> to vector<272x512xf32>
    %mul3A_86 = arith.mulf %slice3A_84, %slice3A_85 : vector<272x512xf32>
    %reshape3A_87 = vector.shape_cast %mul3A_86 : vector<272x512xf32> to vector<17x16x512xf32>
    %reduce_sum3A_88 = arith.constant dense<0.000000e+00> : vector<17x512xf32>
    %reduce_sum3A_89 = vector.multi_reduction <add>, %reshape3A_87, %reduce_sum3A_88 [1] : vector<17x16x512xf32> to vector<17x512xf32>
    %broadcast_in_dim3A_90 = arith.constant 0.000000e+00 : f32
    %broadcast_in_dim3A_91 = vector.broadcast %broadcast_in_dim3A_90 : f32 to vector<7x512xf32>
    %concatenate3A_92 = tpu.concatenate %reduce_sum3A_89, %broadcast_in_dim3A_91 in 0 : vector<17x512xf32>, vector<7x512xf32> -> vector<24x512xf32>
    %slice3A_93 = vector.extract_strided_slice %reshape3A_16 {offsets = [0, 0], sizes = [256, 512], strides = [1, 1]} : vector<416x512xf32> to vector<256x512xf32>
    %slice3A_94 = vector.extract_strided_slice %reshape3A_16 {offsets = [160, 0], sizes = [256, 512], strides = [1, 1]} : vector<416x512xf32> to vector<256x512xf32>
    %mul3A_95 = arith.mulf %slice3A_93, %slice3A_94 : vector<256x512xf32>
    %reshape3A_96 = vector.shape_cast %mul3A_95 : vector<256x512xf32> to vector<16x16x512xf32>
    %reduce_sum3A_97 = arith.constant dense<0.000000e+00> : vector<16x512xf32>
    %reduce_sum3A_98 = vector.multi_reduction <add>, %reshape3A_96, %reduce_sum3A_97 [1] : vector<16x16x512xf32> to vector<16x512xf32>
    %slice3A_99 = vector.extract_strided_slice %reshape3A_16 {offsets = [0, 0], sizes = [240, 512], strides = [1, 1]} : vector<416x512xf32> to vector<240x512xf32>
    %slice3A_100 = vector.extract_strided_slice %reshape3A_16 {offsets = [176, 0], sizes = [240, 512], strides = [1, 1]} : vector<416x512xf32> to vector<240x512xf32>
    %mul3A_101 = arith.mulf %slice3A_99, %slice3A_100 : vector<240x512xf32>
    %reshape3A_102 = vector.shape_cast %mul3A_101 : vector<240x512xf32> to vector<15x16x512xf32>
    %reduce_sum3A_103 = arith.constant dense<0.000000e+00> : vector<15x512xf32>
    %reduce_sum3A_104 = vector.multi_reduction <add>, %reshape3A_102, %reduce_sum3A_103 [1] : vector<15x16x512xf32> to vector<15x512xf32>
    %broadcast_in_dim3A_105 = arith.constant 0.000000e+00 : f32
    %broadcast_in_dim3A_106 = vector.broadcast %broadcast_in_dim3A_105 : f32 to vector<1x512xf32>
    %concatenate3A_107 = tpu.concatenate %reduce_sum3A_104, %broadcast_in_dim3A_106 in 0 : vector<15x512xf32>, vector<1x512xf32> -> vector<16x512xf32>
    %slice3A_108 = vector.extract_strided_slice %reshape3A_16 {offsets = [0, 0], sizes = [224, 512], strides = [1, 1]} : vector<416x512xf32> to vector<224x512xf32>
    %slice3A_109 = vector.extract_strided_slice %reshape3A_16 {offsets = [192, 0], sizes = [224, 512], strides = [1, 1]} : vector<416x512xf32> to vector<224x512xf32>
    %mul3A_110 = arith.mulf %slice3A_108, %slice3A_109 : vector<224x512xf32>
    %reshape3A_111 = vector.shape_cast %mul3A_110 : vector<224x512xf32> to vector<14x16x512xf32>
    %reduce_sum3A_112 = arith.constant dense<0.000000e+00> : vector<14x512xf32>
    %reduce_sum3A_113 = vector.multi_reduction <add>, %reshape3A_111, %reduce_sum3A_112 [1] : vector<14x16x512xf32> to vector<14x512xf32>
    %broadcast_in_dim3A_114 = arith.constant 0.000000e+00 : f32
    %broadcast_in_dim3A_115 = vector.broadcast %broadcast_in_dim3A_114 : f32 to vector<2x512xf32>
    %concatenate3A_116 = tpu.concatenate %reduce_sum3A_113, %broadcast_in_dim3A_115 in 0 : vector<14x512xf32>, vector<2x512xf32> -> vector<16x512xf32>
    %slice3A_117 = vector.extract_strided_slice %reshape3A_16 {offsets = [0, 0], sizes = [208, 512], strides = [1, 1]} : vector<416x512xf32> to vector<208x512xf32>
    %slice3A_118 = vector.extract_strided_slice %reshape3A_16 {offsets = [208, 0], sizes = [208, 512], strides = [1, 1]} : vector<416x512xf32> to vector<208x512xf32>
    %mul3A_119 = arith.mulf %slice3A_117, %slice3A_118 : vector<208x512xf32>
    %reshape3A_120 = vector.shape_cast %mul3A_119 : vector<208x512xf32> to vector<13x16x512xf32>
    %reduce_sum3A_121 = arith.constant dense<0.000000e+00> : vector<13x512xf32>
    %reduce_sum3A_122 = vector.multi_reduction <add>, %reshape3A_120, %reduce_sum3A_121 [1] : vector<13x16x512xf32> to vector<13x512xf32>
    %broadcast_in_dim3A_123 = arith.constant 0.000000e+00 : f32
    %broadcast_in_dim3A_124 = vector.broadcast %broadcast_in_dim3A_123 : f32 to vector<3x512xf32>
    %concatenate3A_125 = tpu.concatenate %reduce_sum3A_122, %broadcast_in_dim3A_124 in 0 : vector<13x512xf32>, vector<3x512xf32> -> vector<16x512xf32>
    %slice3A_126 = vector.extract_strided_slice %reshape3A_16 {offsets = [0, 0], sizes = [192, 512], strides = [1, 1]} : vector<416x512xf32> to vector<192x512xf32>
    %slice3A_127 = vector.extract_strided_slice %reshape3A_16 {offsets = [224, 0], sizes = [192, 512], strides = [1, 1]} : vector<416x512xf32> to vector<192x512xf32>
    %mul3A_128 = arith.mulf %slice3A_126, %slice3A_127 : vector<192x512xf32>
    %reshape3A_129 = vector.shape_cast %mul3A_128 : vector<192x512xf32> to vector<12x16x512xf32>
    %reduce_sum3A_130 = arith.constant dense<0.000000e+00> : vector<12x512xf32>
    %reduce_sum3A_131 = vector.multi_reduction <add>, %reshape3A_129, %reduce_sum3A_130 [1] : vector<12x16x512xf32> to vector<12x512xf32>
    %broadcast_in_dim3A_132 = arith.constant 0.000000e+00 : f32
    %broadcast_in_dim3A_133 = vector.broadcast %broadcast_in_dim3A_132 : f32 to vector<4x512xf32>
    %concatenate3A_134 = tpu.concatenate %reduce_sum3A_131, %broadcast_in_dim3A_133 in 0 : vector<12x512xf32>, vector<4x512xf32> -> vector<16x512xf32>
    %slice3A_135 = vector.extract_strided_slice %reshape3A_16 {offsets = [0, 0], sizes = [176, 512], strides = [1, 1]} : vector<416x512xf32> to vector<176x512xf32>
    %slice3A_136 = vector.extract_strided_slice %reshape3A_16 {offsets = [240, 0], sizes = [176, 512], strides = [1, 1]} : vector<416x512xf32> to vector<176x512xf32>
    %mul3A_137 = arith.mulf %slice3A_135, %slice3A_136 : vector<176x512xf32>
    %reshape3A_138 = vector.shape_cast %mul3A_137 : vector<176x512xf32> to vector<11x16x512xf32>
    %reduce_sum3A_139 = arith.constant dense<0.000000e+00> : vector<11x512xf32>
    %reduce_sum3A_140 = vector.multi_reduction <add>, %reshape3A_138, %reduce_sum3A_139 [1] : vector<11x16x512xf32> to vector<11x512xf32>
    %broadcast_in_dim3A_141 = arith.constant 0.000000e+00 : f32
    %broadcast_in_dim3A_142 = vector.broadcast %broadcast_in_dim3A_141 : f32 to vector<5x512xf32>
    %concatenate3A_143 = tpu.concatenate %reduce_sum3A_140, %broadcast_in_dim3A_142 in 0 : vector<11x512xf32>, vector<5x512xf32> -> vector<16x512xf32>
    %slice3A_144 = vector.extract_strided_slice %reshape3A_16 {offsets = [0, 0], sizes = [160, 512], strides = [1, 1]} : vector<416x512xf32> to vector<160x512xf32>
    %slice3A_145 = vector.extract_strided_slice %reshape3A_16 {offsets = [256, 0], sizes = [160, 512], strides = [1, 1]} : vector<416x512xf32> to vector<160x512xf32>
    %mul3A_146 = arith.mulf %slice3A_144, %slice3A_145 : vector<160x512xf32>
    %reshape3A_147 = vector.shape_cast %mul3A_146 : vector<160x512xf32> to vector<10x16x512xf32>
    %reduce_sum3A_148 = arith.constant dense<0.000000e+00> : vector<10x512xf32>
    %reduce_sum3A_149 = vector.multi_reduction <add>, %reshape3A_147, %reduce_sum3A_148 [1] : vector<10x16x512xf32> to vector<10x512xf32>
    %broadcast_in_dim3A_150 = arith.constant 0.000000e+00 : f32
    %broadcast_in_dim3A_151 = vector.broadcast %broadcast_in_dim3A_150 : f32 to vector<6x512xf32>
    %concatenate3A_152 = tpu.concatenate %reduce_sum3A_149, %broadcast_in_dim3A_151 in 0 : vector<10x512xf32>, vector<6x512xf32> -> vector<16x512xf32>
    %slice3A_153 = vector.extract_strided_slice %reshape3A_16 {offsets = [0, 0], sizes = [144, 512], strides = [1, 1]} : vector<416x512xf32> to vector<144x512xf32>
    %slice3A_154 = vector.extract_strided_slice %reshape3A_16 {offsets = [272, 0], sizes = [144, 512], strides = [1, 1]} : vector<416x512xf32> to vector<144x512xf32>
    %mul3A_155 = arith.mulf %slice3A_153, %slice3A_154 : vector<144x512xf32>
    %reshape3A_156 = vector.shape_cast %mul3A_155 : vector<144x512xf32> to vector<9x16x512xf32>
    %reduce_sum3A_157 = arith.constant dense<0.000000e+00> : vector<9x512xf32>
    %reduce_sum3A_158 = vector.multi_reduction <add>, %reshape3A_156, %reduce_sum3A_157 [1] : vector<9x16x512xf32> to vector<9x512xf32>
    %broadcast_in_dim3A_159 = arith.constant 0.000000e+00 : f32
    %broadcast_in_dim3A_160 = vector.broadcast %broadcast_in_dim3A_159 : f32 to vector<7x512xf32>
    %concatenate3A_161 = tpu.concatenate %reduce_sum3A_158, %broadcast_in_dim3A_160 in 0 : vector<9x512xf32>, vector<7x512xf32> -> vector<16x512xf32>
    %slice3A_162 = vector.extract_strided_slice %reshape3A_16 {offsets = [0, 0], sizes = [128, 512], strides = [1, 1]} : vector<416x512xf32> to vector<128x512xf32>
    %slice3A_163 = vector.extract_strided_slice %reshape3A_16 {offsets = [288, 0], sizes = [128, 512], strides = [1, 1]} : vector<416x512xf32> to vector<128x512xf32>
    %mul3A_164 = arith.mulf %slice3A_162, %slice3A_163 : vector<128x512xf32>
    %reshape3A_165 = vector.shape_cast %mul3A_164 : vector<128x512xf32> to vector<8x16x512xf32>
    %reduce_sum3A_166 = arith.constant dense<0.000000e+00> : vector<8x512xf32>
    %reduce_sum3A_167 = vector.multi_reduction <add>, %reshape3A_165, %reduce_sum3A_166 [1] : vector<8x16x512xf32> to vector<8x512xf32>
    %slice3A_168 = vector.extract_strided_slice %reshape3A_16 {offsets = [0, 0], sizes = [112, 512], strides = [1, 1]} : vector<416x512xf32> to vector<112x512xf32>
    %slice3A_169 = vector.extract_strided_slice %reshape3A_16 {offsets = [304, 0], sizes = [112, 512], strides = [1, 1]} : vector<416x512xf32> to vector<112x512xf32>
    %mul3A_170 = arith.mulf %slice3A_168, %slice3A_169 : vector<112x512xf32>
    %reshape3A_171 = vector.shape_cast %mul3A_170 : vector<112x512xf32> to vector<7x16x512xf32>
    %reduce_sum3A_172 = arith.constant dense<0.000000e+00> : vector<7x512xf32>
    %reduce_sum3A_173 = vector.multi_reduction <add>, %reshape3A_171, %reduce_sum3A_172 [1] : vector<7x16x512xf32> to vector<7x512xf32>
    %broadcast_in_dim3A_174 = arith.constant 0.000000e+00 : f32
    %broadcast_in_dim3A_175 = vector.broadcast %broadcast_in_dim3A_174 : f32 to vector<1x512xf32>
    %concatenate3A_176 = tpu.concatenate %reduce_sum3A_173, %broadcast_in_dim3A_175 in 0 : vector<7x512xf32>, vector<1x512xf32> -> vector<8x512xf32>
    %slice3A_177 = vector.extract_strided_slice %reshape3A_16 {offsets = [0, 0], sizes = [96, 512], strides = [1, 1]} : vector<416x512xf32> to vector<96x512xf32>
    %slice3A_178 = vector.extract_strided_slice %reshape3A_16 {offsets = [320, 0], sizes = [96, 512], strides = [1, 1]} : vector<416x512xf32> to vector<96x512xf32>
    %mul3A_179 = arith.mulf %slice3A_177, %slice3A_178 : vector<96x512xf32>
    %reshape3A_180 = vector.shape_cast %mul3A_179 : vector<96x512xf32> to vector<6x16x512xf32>
    %reduce_sum3A_181 = arith.constant dense<0.000000e+00> : vector<6x512xf32>
    %reduce_sum3A_182 = vector.multi_reduction <add>, %reshape3A_180, %reduce_sum3A_181 [1] : vector<6x16x512xf32> to vector<6x512xf32>
    %broadcast_in_dim3A_183 = arith.constant 0.000000e+00 : f32
    %broadcast_in_dim3A_184 = vector.broadcast %broadcast_in_dim3A_183 : f32 to vector<2x512xf32>
    %concatenate3A_185 = tpu.concatenate %reduce_sum3A_182, %broadcast_in_dim3A_184 in 0 : vector<6x512xf32>, vector<2x512xf32> -> vector<8x512xf32>
    %slice3A_186 = vector.extract_strided_slice %reshape3A_16 {offsets = [0, 0], sizes = [80, 512], strides = [1, 1]} : vector<416x512xf32> to vector<80x512xf32>
    %slice3A_187 = vector.extract_strided_slice %reshape3A_16 {offsets = [336, 0], sizes = [80, 512], strides = [1, 1]} : vector<416x512xf32> to vector<80x512xf32>
    %mul3A_188 = arith.mulf %slice3A_186, %slice3A_187 : vector<80x512xf32>
    %reshape3A_189 = vector.shape_cast %mul3A_188 : vector<80x512xf32> to vector<5x16x512xf32>
    %reduce_sum3A_190 = arith.constant dense<0.000000e+00> : vector<5x512xf32>
    %reduce_sum3A_191 = vector.multi_reduction <add>, %reshape3A_189, %reduce_sum3A_190 [1] : vector<5x16x512xf32> to vector<5x512xf32>
    %broadcast_in_dim3A_192 = arith.constant 0.000000e+00 : f32
    %broadcast_in_dim3A_193 = vector.broadcast %broadcast_in_dim3A_192 : f32 to vector<3x512xf32>
    %concatenate3A_194 = tpu.concatenate %reduce_sum3A_191, %broadcast_in_dim3A_193 in 0 : vector<5x512xf32>, vector<3x512xf32> -> vector<8x512xf32>
    %slice3A_195 = vector.extract_strided_slice %reshape3A_16 {offsets = [0, 0], sizes = [64, 512], strides = [1, 1]} : vector<416x512xf32> to vector<64x512xf32>
    %slice3A_196 = vector.extract_strided_slice %reshape3A_16 {offsets = [352, 0], sizes = [64, 512], strides = [1, 1]} : vector<416x512xf32> to vector<64x512xf32>
    %mul3A_197 = arith.mulf %slice3A_195, %slice3A_196 : vector<64x512xf32>
    %reshape3A_198 = vector.shape_cast %mul3A_197 : vector<64x512xf32> to vector<4x16x512xf32>
    %reduce_sum3A_199 = arith.constant dense<0.000000e+00> : vector<4x512xf32>
    %reduce_sum3A_200 = vector.multi_reduction <add>, %reshape3A_198, %reduce_sum3A_199 [1] : vector<4x16x512xf32> to vector<4x512xf32>
    %broadcast_in_dim3A_201 = arith.constant 0.000000e+00 : f32
    %broadcast_in_dim3A_202 = vector.broadcast %broadcast_in_dim3A_201 : f32 to vector<4x512xf32>
    %concatenate3A_203 = tpu.concatenate %reduce_sum3A_200, %broadcast_in_dim3A_202 in 0 : vector<4x512xf32>, vector<4x512xf32> -> vector<8x512xf32>
    %slice3A_204 = vector.extract_strided_slice %reshape3A_16 {offsets = [0, 0], sizes = [48, 512], strides = [1, 1]} : vector<416x512xf32> to vector<48x512xf32>
    %slice3A_205 = vector.extract_strided_slice %reshape3A_16 {offsets = [368, 0], sizes = [48, 512], strides = [1, 1]} : vector<416x512xf32> to vector<48x512xf32>
    %mul3A_206 = arith.mulf %slice3A_204, %slice3A_205 : vector<48x512xf32>
    %reshape3A_207 = vector.shape_cast %mul3A_206 : vector<48x512xf32> to vector<3x16x512xf32>
    %reduce_sum3A_208 = arith.constant dense<0.000000e+00> : vector<3x512xf32>
    %reduce_sum3A_209 = vector.multi_reduction <add>, %reshape3A_207, %reduce_sum3A_208 [1] : vector<3x16x512xf32> to vector<3x512xf32>
    %broadcast_in_dim3A_210 = arith.constant 0.000000e+00 : f32
    %broadcast_in_dim3A_211 = vector.broadcast %broadcast_in_dim3A_210 : f32 to vector<5x512xf32>
    %concatenate3A_212 = tpu.concatenate %reduce_sum3A_209, %broadcast_in_dim3A_211 in 0 : vector<3x512xf32>, vector<5x512xf32> -> vector<8x512xf32>
    %slice3A_213 = vector.extract_strided_slice %reshape3A_16 {offsets = [0, 0], sizes = [32, 512], strides = [1, 1]} : vector<416x512xf32> to vector<32x512xf32>
    %slice3A_214 = vector.extract_strided_slice %reshape3A_16 {offsets = [384, 0], sizes = [32, 512], strides = [1, 1]} : vector<416x512xf32> to vector<32x512xf32>
    %mul3A_215 = arith.mulf %slice3A_213, %slice3A_214 : vector<32x512xf32>
    %reshape3A_216 = vector.shape_cast %mul3A_215 : vector<32x512xf32> to vector<2x16x512xf32>
    %reduce_sum3A_217 = arith.constant dense<0.000000e+00> : vector<2x512xf32>
    %reduce_sum3A_218 = vector.multi_reduction <add>, %reshape3A_216, %reduce_sum3A_217 [1] : vector<2x16x512xf32> to vector<2x512xf32>
    %broadcast_in_dim3A_219 = arith.constant 0.000000e+00 : f32
    %broadcast_in_dim3A_220 = vector.broadcast %broadcast_in_dim3A_219 : f32 to vector<6x512xf32>
    %concatenate3A_221 = tpu.concatenate %reduce_sum3A_218, %broadcast_in_dim3A_220 in 0 : vector<2x512xf32>, vector<6x512xf32> -> vector<8x512xf32>
    %slice3A_222 = vector.extract_strided_slice %reshape3A_16 {offsets = [0, 0], sizes = [16, 512], strides = [1, 1]} : vector<416x512xf32> to vector<16x512xf32>
    %slice3A_223 = vector.extract_strided_slice %reshape3A_16 {offsets = [400, 0], sizes = [16, 512], strides = [1, 1]} : vector<416x512xf32> to vector<16x512xf32>
    %mul3A_224 = arith.mulf %slice3A_222, %slice3A_223 : vector<16x512xf32>
    %reshape3A_225 = vector.shape_cast %mul3A_224 : vector<16x512xf32> to vector<1x16x512xf32>
    %reduce_sum3A_226 = arith.constant dense<0.000000e+00> : vector<1x512xf32>
    %reduce_sum3A_227 = vector.multi_reduction <add>, %reshape3A_225, %reduce_sum3A_226 [1] : vector<1x16x512xf32> to vector<1x512xf32>
    %broadcast_in_dim3A_228 = arith.constant 0.000000e+00 : f32
    %broadcast_in_dim3A_229 = vector.broadcast %broadcast_in_dim3A_228 : f32 to vector<7x512xf32>
    %concatenate3A_230 = tpu.concatenate %reduce_sum3A_227, %broadcast_in_dim3A_229 in 0 : vector<1x512xf32>, vector<7x512xf32> -> vector<8x512xf32>
    %concatenate3A_231 = tpu.concatenate %reshape3A_16, %concatenate3A, %reduce_sum3A_29, %concatenate3A_38, %concatenate3A_47, %concatenate3A_56, %concatenate3A_65, %concatenate3A_74, %concatenate3A_83, %concatenate3A_92, %reduce_sum3A_98, %concatenate3A_107, %concatenate3A_116, %concatenate3A_125, %concatenate3A_134, %concatenate3A_143, %concatenate3A_152, %concatenate3A_161, %reduce_sum3A_167, %concatenate3A_176, %concatenate3A_185, %concatenate3A_194, %concatenate3A_203, %concatenate3A_212, %concatenate3A_221, %concatenate3A_230 in 0 : vector<416x512xf32>, vector<32x512xf32>, vector<24x512xf32>, vector<24x512xf32>, vector<24x512xf32>, vector<24x512xf32>, vector<24x512xf32>, vector<24x512xf32>, vector<24x512xf32>, vector<24x512xf32>, vector<16x512xf32>, vector<16x512xf32>, vector<16x512xf32>, vector<16x512xf32>, vector<16x512xf32>, vector<16x512xf32>, vector<16x512xf32>, vector<16x512xf32>, vector<8x512xf32>, vector<8x512xf32>, vector<8x512xf32>, vector<8x512xf32>, vector<8x512xf32>, vector<8x512xf32>, vector<8x512xf32>, vector<8x512xf32> -> vector<832x512xf32>
    %get3A_232 = arith.constant 0 : index
    %get3A_233 = arith.constant 0 : index
    %get3A_234 = vector.load %arg2[%get3A_232, %get3A_233] : memref<1024x832xbf16, #tpu.memory_space<vmem>>, vector<1024x832xbf16>
    %convert_element_type3A = arith.truncf %concatenate3A_231 : vector<832x512xf32> to vector<832x512xbf16>
    %dot_general3A = arith.constant dense<0.000000e+00> : vector<1024x512xf32>
    %dot_general3A_235 = tpu.matmul %get3A_234, %convert_element_type3A, %dot_general3A {dimension_numbers = #tpu.dot_dimension_numbers<[1], [0], [0], [1], [0, 0, 1, 1], [], []>, transpose_lhs_hint = false} : vector<1024x832xbf16>, vector<832x512xbf16>, vector<1024x512xf32> -> vector<1024x512xf32>
    %get3A_236 = arith.constant 0 : index
    %get3A_237 = arith.constant 0 : index
    %get3A_238 = vector.load %arg3[%get3A_236, %get3A_237] : memref<1024x1xf32, #tpu.memory_space<vmem>>, vector<1024x1xf32>
    %add3A_239 = vector.broadcast %get3A_238 : vector<1024x1xf32> to vector<1024x512xf32>
    %add3A_240 = arith.addf %dot_general3A_235, %add3A_239 : vector<1024x512xf32>
    %max3A = arith.constant 0.000000e+00 : f32
    %max3A_241 = vector.broadcast %max3A : f32 to vector<1024x512xf32>
    %max3A_242 = arith.maximumf %add3A_240, %max3A_241 : vector<1024x512xf32>
    %convert_element_type3A_243 = arith.truncf %max3A_242 : vector<1024x512xf32> to vector<1024x512xbf16>
    %get3A_244 = arith.constant 0 : index
    %get3A_245 = arith.constant 0 : index
    %get3A_246 = vector.load %arg4[%get3A_244, %get3A_245] : memref<512x1024xbf16, #tpu.memory_space<vmem>>, vector<512x1024xbf16>
    %dot_general3A_247 = arith.constant dense<0.000000e+00> : vector<512x512xf32>
    %dot_general3A_248 = tpu.matmul %get3A_246, %convert_element_type3A_243, %dot_general3A_247 {dimension_numbers = #tpu.dot_dimension_numbers<[1], [0], [0], [1], [0, 0, 1, 1], [], []>, transpose_lhs_hint = false} : vector<512x1024xbf16>, vector<1024x512xbf16>, vector<512x512xf32> -> vector<512x512xf32>
    %get3A_249 = arith.constant 0 : index
    %get3A_250 = arith.constant 0 : index
    %get3A_251 = vector.load %arg5[%get3A_249, %get3A_250] : memref<512x1xf32, #tpu.memory_space<vmem>>, vector<512x1xf32>
    %add3A_252 = vector.broadcast %get3A_251 : vector<512x1xf32> to vector<512x512xf32>
    %add3A_253 = arith.addf %dot_general3A_248, %add3A_252 : vector<512x512xf32>
    %max3A_254 = arith.constant 0.000000e+00 : f32
    %max3A_255 = vector.broadcast %max3A_254 : f32 to vector<512x512xf32>
    %max3A_256 = arith.maximumf %add3A_253, %max3A_255 : vector<512x512xf32>
    %convert_element_type3A_257 = arith.truncf %max3A_256 : vector<512x512xf32> to vector<512x512xbf16>
    %get3A_258 = arith.constant 0 : index
    %get3A_259 = arith.constant 0 : index
    %get3A_260 = vector.load %arg6[%get3A_258, %get3A_259] : memref<256x512xbf16, #tpu.memory_space<vmem>>, vector<256x512xbf16>
    %dot_general3A_261 = arith.constant dense<0.000000e+00> : vector<256x512xf32>
    %dot_general3A_262 = tpu.matmul %get3A_260, %convert_element_type3A_257, %dot_general3A_261 {dimension_numbers = #tpu.dot_dimension_numbers<[1], [0], [0], [1], [0, 0, 1, 1], [], []>, transpose_lhs_hint = false} : vector<256x512xbf16>, vector<512x512xbf16>, vector<256x512xf32> -> vector<256x512xf32>
    %get3A_263 = arith.constant 0 : index
    %get3A_264 = arith.constant 0 : index
    %get3A_265 = vector.load %arg7[%get3A_263, %get3A_264] : memref<256x1xf32, #tpu.memory_space<vmem>>, vector<256x1xf32>
    %add3A_266 = vector.broadcast %get3A_265 : vector<256x1xf32> to vector<256x512xf32>
    %add3A_267 = arith.addf %dot_general3A_262, %add3A_266 : vector<256x512xf32>
    %max3A_268 = arith.constant 0.000000e+00 : f32
    %max3A_269 = vector.broadcast %max3A_268 : f32 to vector<256x512xf32>
    %max3A_270 = arith.maximumf %add3A_267, %max3A_269 : vector<256x512xf32>
    %convert_element_type3A_271 = arith.truncf %max3A_270 : vector<256x512xf32> to vector<256x512xbf16>
    %get3A_272 = arith.constant 0 : index
    %get3A_273 = arith.constant 0 : index
    %get3A_274 = vector.load %arg8[%get3A_272, %get3A_273] : memref<8x256xbf16, #tpu.memory_space<vmem>>, vector<8x256xbf16>
    %dot_general3A_275 = arith.constant dense<0.000000e+00> : vector<8x512xf32>
    %dot_general3A_276 = tpu.matmul %get3A_274, %convert_element_type3A_271, %dot_general3A_275 {dimension_numbers = #tpu.dot_dimension_numbers<[1], [0], [0], [1], [0, 0, 1, 1], [], []>, transpose_lhs_hint = false} : vector<8x256xbf16>, vector<256x512xbf16>, vector<8x512xf32> -> vector<8x512xf32>
    %get3A_277 = arith.constant 0 : index
    %get3A_278 = arith.constant 0 : index
    %get3A_279 = vector.load %arg9[%get3A_277, %get3A_278] : memref<8x1xf32, #tpu.memory_space<vmem>>, vector<8x1xf32>
    %add3A_280 = vector.broadcast %get3A_279 : vector<8x1xf32> to vector<8x512xf32>
    %add3A_281 = arith.addf %dot_general3A_276, %add3A_280 : vector<8x512xf32>
    %slice3A_282 = vector.extract_strided_slice %add3A_281 {offsets = [0, 0], sizes = [1, 512], strides = [1, 1]} : vector<8x512xf32> to vector<1x512xf32>
    %squeeze3A = vector.shape_cast %slice3A_282 : vector<1x512xf32> to vector<512xf32>
    %swap3A = arith.constant 0 : index
    %swap3A_283 = vector.load %arg10[%swap3A] : memref<512xf32, #tpu.memory_space<vmem>>, vector<512xf32>
    tpu.vector_store %arg10[%swap3A], %squeeze3A {strides = array<i32>} : memref<512xf32, #tpu.memory_space<vmem>>, vector<512xf32>,
    return
  }
  func.func @transform_0(%arg0: i32) -> (i32, i32) {
    %c0_i32 = arith.constant 0 : i32
    %c0_i32_0 = arith.constant 0 : i32
    return %arg0, %c0_i32 : i32, i32
  }
  func.func @transform_1(%arg0: i32) -> (i32, i32) {
    %c0_i32 = arith.constant 0 : i32
    %c0_i32_0 = arith.constant 0 : i32
    %c0_i32_1 = arith.constant 0 : i32
    return %c0_i32, %c0_i32_0 : i32, i32
  }
  func.func @transform_2(%arg0: i32) -> (i32, i32) {
    %c0_i32 = arith.constant 0 : i32
    %c0_i32_0 = arith.constant 0 : i32
    %c0_i32_1 = arith.constant 0 : i32
    return %c0_i32, %c0_i32_0 : i32, i32
  }
  func.func @transform_3(%arg0: i32) -> (i32, i32) {
    %c0_i32 = arith.constant 0 : i32
    %c0_i32_0 = arith.constant 0 : i32
    %c0_i32_1 = arith.constant 0 : i32
    return %c0_i32, %c0_i32_0 : i32, i32
  }
  func.func @transform_4(%arg0: i32) -> (i32, i32) {
    %c0_i32 = arith.constant 0 : i32
    %c0_i32_0 = arith.constant 0 : i32
    %c0_i32_1 = arith.constant 0 : i32
    return %c0_i32, %c0_i32_0 : i32, i32
  }
  func.func @transform_5(%arg0: i32) -> (i32, i32) {
    %c0_i32 = arith.constant 0 : i32
    %c0_i32_0 = arith.constant 0 : i32
    %c0_i32_1 = arith.constant 0 : i32
    return %c0_i32, %c0_i32_0 : i32, i32
  }
  func.func @transform_6(%arg0: i32) -> (i32, i32) {
    %c0_i32 = arith.constant 0 : i32
    %c0_i32_0 = arith.constant 0 : i32
    %c0_i32_1 = arith.constant 0 : i32
    return %c0_i32, %c0_i32_0 : i32, i32
  }
  func.func @transform_7(%arg0: i32) -> (i32, i32) {
    %c0_i32 = arith.constant 0 : i32
    %c0_i32_0 = arith.constant 0 : i32
    %c0_i32_1 = arith.constant 0 : i32
    return %c0_i32, %c0_i32_0 : i32, i32
  }
  func.func @transform_8(%arg0: i32) -> (i32, i32) {
    %c0_i32 = arith.constant 0 : i32
    %c0_i32_0 = arith.constant 0 : i32
    %c0_i32_1 = arith.constant 0 : i32
    return %c0_i32, %c0_i32_0 : i32, i32
  }
  func.func @transform_9(%arg0: i32) -> i32 {
    %c0_i32 = arith.constant 0 : i32
    return %arg0 : i32
  }
}

</mosaic_0001>

<sc_bundles>
// kernel: kernel.4.cloned.1.call-start
scs
__scs_entry_jumppad:
0x0: {  	(pc) =	sbr.rel $0x88, $3  }
0x1: {  	(tag) =	ssettag $0x0;
	lr =	simm.s32 $0x1  }
0x2: {  	[smem:$0x3F97] =	sst lr;
	_ =	strace $0xD0000000  }
0x3: {  	_ = 	snop  }
0x4: {  	_ = 	snop  }
0x5: {  	_ = 	snop  }
0x6: {  	_ = 	snop  }
0x7: {  	_ = 	snop  }
__scs_overlays_trampoline_lowered:
0x8: {  	[smem:$0x3FA6] =	sst s0  }
0x9: {  	[smem:$0x3FA7] =	sst s1  }
0xa: {  	[smem:$0x3FA8] =	sst s2  }
0xb: {  	[smem:$0x3FA9] =	sst s3  }
0xc: {  	[smem:$0x3FAA] =	sst s4  }
0xd: {  	[smem:$0x3FAB] =	sst s5  }
0xe: {  	[smem:$0x3FAC] =	sst s6  }
0xf: {  	[smem:$0x3FAD] =	sst s7  }
0x10: {  	[smem:$0x3FAE] =	sst s8  }
0x11: {  	[smem:$0x3FAF] =	sst s9;
	s0 =	simm.s32 @!p0 $0x0  }
0x12: {  	s1 =	sld [smem:$0x3F95];
	s0 =	simm.s32 @p0 $0x1  }
0x13: {  	[smem:$0x3FB0] =	sst s0;
	s0 =	simm.s32 @!p1 $0x0  }
0x14: {  	s2 =	sld [smem:$0x3F94];
	s0 =	simm.s32 @p1 $0x1  }
0x15: {  	[smem:$0x3FB1] =	sst s0;
	s0 =	simm.s32 @!p2 $0x0  }
0x16: {  	s3 =	sld [smem:$0x3FDB];
	s0 =	simm.s32 @p2 $0x1  }
0x17: {  	s4 =	simm.s32 $0x1BF5;
	[smem:$0x3FB3] =	sst s0  }
0x18: {  	s0 =	sld [smem:$0x3F96];
	_ =	swait.ge [sflag:s4], $0x0  }
0x19: {  	s7 =	sld [smem:$0x3F97]  }
0x1a: {  	s8 =	sadd.s32 $0xFFFFE003, lr  }
0x1b: {  	s9 =	sadd.s32 $0xFFFFFEF7, lr;
	s5 =	simm.s32 $0xFFFFFFFF;
	p2 =	slt.u32 s8, $0xFFFFF086  }
0x1c: {  	p1 =	slt.u32 s9, $0xF7A;
	s5 =	simm.s32 @!p2 $0x0  }
0x1d: {  	s5 =	simm.s32 @p1 $0x1;
	p0 =	seq.s32 s7, s2  }
0x1e: {  	s7 =	smul.u32 @!p0 $0xF7A, s2;
	p2 =	seq.s32 @!p0 s5, $0x0  }
0x1f: {  	s9 =	smul.u32 $0xF7A, s1;
	s8 =	simm.s32 @!p0 $0x1BF5;
	p2 =	por !p2, p0  }
0x20: {  	[sflag:s8] =	ssyncset.s32 @!p0 $0xFFFFF086;
	s6 =	sadd.s32 @!p0 s3, s7;
	s7 =	simm.s32 @!p0 $0x108  }
0x21: {  	s3 =	sadd.s32 s3, s9;
	s6 =	sadd.s32 @!p0 $0x88, s6;
	s7 =	simm.s32 @p2 $0x1082  }
0x22: {  	[simem:s7], [sflag:s8] =	dma.local @!p0 [hbm:s6], $0xF7A  }
0x23: {  	s9 =	sor.u32 $0xD0000000, s2;
	s6 =	simm.s32 $0x108;
	_ =	swait.ge @!p0 [sflag:s8], $0x0  }
0x24: {  	s3 =	sadd.s32 $0x88, s3;
	s6 =	simm.s32 @!p1 $0x1082;
	[sflag:s4] =	ssyncset.s32 $0xFFFFF086  }
0x25: {  	[simem:s6], [sflag:s4] =	dma.local [hbm:s3], $0xF7A  }
0x26: {  	[smem:$0x3F97] =	sst s1;
	(tag) =	ssettag s2;
	_ =	strace s9  }
0x27: {  	s1 =	sld [smem:$0x3FA7]  }
0x28: {  	s2 =	sld [smem:$0x3FA8]  }
0x29: {  	s4 =	sld [smem:$0x3FAA]  }
0x2a: {  	p0 =	seq.s32 s5, $0x0;
	s5 =	sld [smem:$0x3FAB]  }
0x2b: {  	s6 =	sld [smem:$0x3FAC]  }
0x2c: {  	s7 =	sld [smem:$0x3FAD]  }
0x2d: {  	s3 =	simm.s32 $0x108;
	s8 =	sld [smem:$0x3FAE]  }
0x2e: {  	s3 =	simm.s32 @!p0 $0x1082;
	s9 =	sld [smem:$0x3FAF]  }
0x2f: {  	lr =	sadd.s32 s0, s3;
	s0 =	sld [smem:$0x3FA6]  }
0x30: {  	s3 =	sld [smem:$0x3FA9]  }
0x31: {  	[smem:$0x3FB2] =	sst s10  }
0x32: {  	s10 =	sld [smem:$0x3FB0];
	_ =	sdelay $0x3  }
0x33: {  	p0 =	seq.s32 s10, $0x1;
	s10 =	sld [smem:$0x3FB2];
	_ =	sdelay $0x3  }
0x34: {  	[smem:$0x3FB2] =	sst s10  }
0x35: {  	s10 =	sld [smem:$0x3FB1];
	_ =	sdelay $0x3  }
0x36: {  	p1 =	seq.s32 s10, $0x1;
	s10 =	sld [smem:$0x3FB2];
	_ =	sdelay $0x3  }
0x37: {  	[smem:$0x3FB2] =	sst s10  }
0x38: {  	s10 =	sld [smem:$0x3FB3]  }
0x39: {  	_ = 	snop;
	(pc) =	sbr.ind lr, $3  }
0x3a: {  	_ = 	snop  }
0x3b: {  	_ = 	snop  }
0x3c: {  	p2 =	seq.s32 s10, $0x1;
	s10 =	sld [smem:$0x3FB2]  }
0x3d: {  	_ =	shalt  }
0x3e: {  	_ =	shalt  }
0x3f: {  	_ =	shalt  }
0x40: {  	_ =	shalt  }
0x41: {  	_ =	shalt  }
0x42: {  	_ =	shalt  }
0x43: {  	_ =	shalt  }
0x44: {  	_ =	shalt  }
0x45: {  	_ =	shalt  }
0x46: {  	_ =	shalt  }
0x47: {  	_ =	shalt  }
0x48: {  	_ =	shalt  }
0x49: {  	_ =	shalt  }
0x4a: {  	_ =	shalt  }
0x4b: {  	_ =	shalt  }
0x4c: {  	_ =	shalt  }
0x4d: {  	_ =	shalt  }
0x4e: {  	_ =	shalt  }
0x4f: {  	_ =	shalt  }
0x50: {  	_ =	shalt  }
0x51: {  	_ =	shalt  }
0x52: {  	_ =	shalt  }
0x53: {  	_ =	shalt  }
0x54: {  	_ =	shalt  }
0x55: {  	_ =	shalt  }
0x56: {  	_ =	shalt  }
0x57: {  	_ =	shalt  }
0x58: {  	_ =	shalt  }
0x59: {  	_ =	shalt  }
0x5a: {  	_ =	shalt  }
0x5b: {  	_ =	shalt  }
0x5c: {  	_ =	shalt  }
0x5d: {  	_ =	shalt  }
0x5e: {  	_ =	shalt  }
0x5f: {  	_ =	shalt  }
0x60: {  	_ =	shalt  }
0x61: {  	_ =	shalt  }
0x62: {  	_ =	shalt  }
0x63: {  	_ =	shalt  }
0x64: {  	_ =	shalt  }
0x65: {  	_ =	shalt  }
0x66: {  	_ =	shalt  }
0x67: {  	_ =	shalt  }
0x68: {  	_ =	shalt  }
0x69: {  	_ =	shalt  }
0x6a: {  	_ =	shalt  }
0x6b: {  	_ =	shalt  }
0x6c: {  	_ =	shalt  }
0x6d: {  	_ =	shalt  }
0x6e: {  	_ =	shalt  }
0x6f: {  	_ =	shalt  }
0x70: {  	_ =	shalt  }
0x71: {  	_ =	shalt  }
0x72: {  	_ =	shalt  }
0x73: {  	_ =	shalt  }
0x74: {  	_ =	shalt  }
0x75: {  	_ =	shalt  }
0x76: {  	_ =	shalt  }
0x77: {  	_ =	shalt  }
0x78: {  	_ =	shalt  }
0x79: {  	_ =	shalt  }
0x7a: {  	_ =	shalt  }
0x7b: {  	_ =	shalt  }
0x7c: {  	_ =	shalt  }
0x7d: {  	_ =	shalt  }
0x7e: {  	_ =	shalt  }
0x7f: {  	_ =	shalt  }
0x80: {  	_ =	shalt  }
0x81: {  	_ =	shalt  }
0x82: {  	_ =	shalt  }
0x83: {  	_ =	shalt  }
0x84: {  	_ =	shalt  }
0x85: {  	_ =	shalt  }
0x86: {  	_ =	shalt  }
0x87: {  	_ =	shalt  }
.Lfunc_end0:
.L_simem_size_0:
called_computation_lowered:
.L_overlay_start_0:
0x88: {  	s2 =	sld [smem:$0x3FD9]  }
0x89: {  	s3 =	sld [smem:$0x3FFE];
	_ =	sdelay $0x1  }
0x8a: {  	s1 =	srdreg.scid  }
0x8b: {  	s0 =	sand.u32 $0x1, s1  }
0x8c: {  	s16 =	sshll.u32 s0, $0xA;
	s2 =	sadd.s32 s3, s2  }
0x8d: {  	s2 =	sadd.s32 s2, s16  }
0x8e: {  	[smem:$0x3FBE] =	sst s2  }
0x8f: {  	_ = 	snop  }
0x90: {  	(tm) =	ssettm $0x1  }
0x91: {  	s17 =	sld [smem:$0x3FFB];
	_ =	sdelay $0x3  }
0x92: {  	_ =	strace s17  }
0x93: {  	s2 =	sld [smem:$0x3FFC];
	_ =	sdelay $0x3  }
0x94: {  	_ =	strace s2  }
0x95: {  	s2 =	sld [smem:$0x3FFD];
	_ =	sdelay $0x3  }
0x96: {  	_ =	strace s2  }
0x97: {  	_ =	strace $0x8FFFFFFF  }
0x98: {  	s18 =	sld [smem:$0x3FDB];
	_ =	sdelay $0x1  }
0x99: {  	s19 =	simm.s32 $_scs_section_size  }
0x9a: {  	s4 =	simm.s32 $_size__tile_overlayer_lowered;
	s5 =	simm.s32 $_tile_overlayer_lowered  }
0x9b: {  	s22 =	simm.s32 $0x1BFF;
	s21 =	sshll.u32 s5, $0x1;
	s2 =	sadd.s32 s19, s18  }
0x9c: {  	s6 =	simm.s32 $0x0;
	s20 =	sshll.u32 s4, $0x1;
	s4 =	sadd.s32 s21, s2  }
0x9d: {  	[timem:s6], [sflag:s22] =	dma.local [hbm:s4], s20  }
0x9e: {  	_ =	swait.ge [sflag:s22], s20  }
0x9f: {  	s3 =	ssub.s32 $0x0, s20;
	[sflag:s22] =	ssyncset.done $0x0  }
0xa0: {  	[sflag:s22] =	ssyncadd.s32 s3;
	_ =	sdelay $0x1  }
0xa1: {  	s23 =	simm.s32 $0x1B8B  }
0xa2: {  	_ =	swait.ge [sflag:s23], $0x1  }
0xa3: {  	[sflag:s23] =	ssyncset.done $0x0  }
0xa4: {  	s25 =	simm.s32 $0x1B8E;
	s24 =	sld [smem:$0x3FFE];
	[sflag:s23] =	ssyncadd.s32 $0xFFFFFFFF  }
0xa5: {  	s26 =	simm.s32 $execute0_lowered;
	[smem:$0x3FD2] =	sst s25  }
0xa6: {  	s4 =	sshll.u32 s26, $0x1;
	_ =	strace $0x80000046;
	[dreg:$0x1] =	wrdreg $0xFFFFFFFF  }
0xa7: {  	s28 =	simm.s32 $_size_execute0_lowered;
	s2 =	sadd.s32 s2, s4;
	[dreg:$0x0] =	wrdreg $0x0  }
0xa8: {  	s4 =	sshll.u32 s28, $0x1;
	[dreg:$0x2] =	wrdreg s2  }
0xa9: {  	[dreg:$0x3] =	wrdreg s4  }
0xaa: {  	[dreg:$0x4] =	wrdreg $0xC0  }
0xab: {  	_ =	task [dreg:s6], $0x5FFFF  }
0xac: {  	[dreg:$0x1] =	wrdreg $0xFFFFFFFF  }
0xad: {  	[dreg:$0x0] =	wrdreg $0x60  }
0xae: {  	[dreg:$0x2] =	wrdreg s24  }
0xaf: {  	[dreg:$0x3] =	wrdreg $0x9  }
0xb0: {  	_ =	task.clear_ibuf [dreg:s6], $0x4FFFF;
	_ =	strace $0x90000046  }
0xb1: {  	s29 =	simm.s32 $0x9;
	_ =	strace $0x80000048  }
0xb2: {  	_ =	swait.ge [sflag:s29], $0x1  }
0xb3: {  	[sflag:s29] =	ssyncadd.s32 $0xFFFFFFFF  }
0xb4: {  	_ =	strace $0x90000048  }
0xb5: {  	_ =	sfence  }
0xb6: {  	s30 =	sld [smem:$0x0];
	_ =	sdelay $0x2  }
0xb7: {  	s31 =	sshll.u32 s1, $0xD;
	s1 =	sshrl.u32 s1, $0x2  }
0xb8: {  	s3 =	sand.u32 $0x4000, s31;
	s1 =	sadd.s32 s1, s30  }
0xb9: {  	s0 =	sor.u32 s3, s0;
	s1 =	sshll.u32 s1, $0x11  }
0xba: {  	s0 =	sor.u32 s1, s0  }
0xbb: {  	s0 =	sadd.s32 $0x8F2B, s0  }
0xbc: {  	[sflag:s0] =	ssyncadd.remote.s32 $0x1  }
0xbd: {  	_ =	sfence.sel $0xFFFF  }
0xbe: {  	[dreg:$0x0] =	wrdreg $0xFFFFFFFF;
	(pc) =	sbr.abs _section_cstart, $3  }
0xbf: {  	[dreg:$0x1] =	wrdreg $0xFFFFFFFF  }
0xc0: {  	_ =	task.clear_ibuf [dreg:s6], $0x2FFFF;
	_ =	strace $0x9FFFFFFF  }
0xc1: {  	(tm) =	ssettm $0x7FFFFFFF  }
tec
execute0_lowered:
.L_overlay_start_1:
0x0: {  	(tag) =	ssettag $0x1  }
0x1: {  	s1 =	srdreg.scid  }
0x2: {  	s0 =	stileid.u32;
	s6 =	rddreg [dreg:$0x0];
	s2 =	simm.s32 $0x0  }
0x3: {  	s10 =	simm.s32 $0xC00;
	s11 =	simm.s32 $0x100;
	s12 =	simm.s32 $0x1400  }
0x4: {  	s13 =	simm.s32 $0x180;
	s14 =	simm.s32 $0x1C00;
	s15 =	simm.s32 $0x200  }
0x5: {  	s16 =	simm.s32 $0x2400;
	s17 =	simm.s32 $0x280;
	s18 =	simm.s32 $0x2C00  }
0x6: {  	s19 =	simm.s32 $0x300;
	s20 =	simm.s32 $0x3400;
	s21 =	simm.s32 $0x380  }
0x7: {  	s22 =	simm.s32 $0x3C00;
	s23 =	simm.s32 $0x1;
	s5 =	smul.u32 $0x6800, s0  }
0x8: {  	s4 =	sand.u32 $0x1, s1;
	s1 =	rddreg [dreg:$0x1];
	s8 =	smul.u32 $0x68000, s0  }
0x9: {  	s24 =	simm.s32 $0x0;
	[smem:$0x7FF] =	sst s2;
	s7 =	smul.u32 $0x3400, s4  }
0xa: {  	s3 =	sadd.s32 $0xFDFE00, s6;
	s9 =	smul.u32 $0x34000, s4;
	s4 =	ssub.s32 $0x2, s4  }
0xb: {  	_ =	strace $0x80000047;
	s29 =	sshrl.u32 s4, $0x1;
	s5 =	sadd.s32 s7, s5  }
0xc: {  	s28 =	sadd.s32 s9, s8;
	s4 =	ssub.s32 s4, s29;
	s8 =	simm.s32 $0x80  }
0xd: {  	s9 =	simm.s32 $0x400;
	s5 =	sshrl.u32 s5, $0x3;
	s7 =	sshrl.u32 s28, $0x3  }
0xe: {  	s4 =	smax.u32 s4, $0x1;
	s30 =	sadd.s32 s5, s6;
	s31 =	sadd.s32 s7, s6  }
0xf: {  	s7 =	simm.s32 $0x2;
	s5 =	sadd.s32 $0xE600, s31;
	s6 =	sadd.s32 $0x1600, s30  }
.LBB2_1:
0x10: {  	s25 =	sadd.s32 $0x0, s6  }
0x11: {  	[tilespmem:s2], [sflag:$0x2] =	stream.linear.gather [hbm4b:s25+s2], $0x400, $0x38;
	[tilespmem:$0x4400] =	vst v63  }
0x12: {  	_ =	swait.ge [sflag:s7], $0x400  }
0x13: {  	[sflag:s7] =	ssyncset.done $0x0  }
0x14: {  	[sflag:s7] =	ssyncadd.s32 $0xFFFFFC00  }
0x15: {  	[tilespmem:s9], [sflag:$0x1] =	stream.indirect.gather [hbm4b:s3+s8], $0x10, s2, s8, $0xb8;
	[tilespmem:$0x4400] =	vst v63  }
0x16: {  	_ = 	snop  }
0x17: {  	[tilespmem:s10], [sflag:$0x1] =	stream.indirect.gather [hbm4b:s3+s8], $0x10, s8, s8, $0xb8;
	[tilespmem:$0x4400] =	vst v63  }
0x18: {  	_ = 	snop  }
0x19: {  	[tilespmem:s12], [sflag:$0x1] =	stream.indirect.gather [hbm4b:s3+s8], $0x10, s11, s8, $0xb8;
	[tilespmem:$0x4400] =	vst v63  }
0x1a: {  	_ = 	snop  }
0x1b: {  	[tilespmem:s14], [sflag:$0x1] =	stream.indirect.gather [hbm4b:s3+s8], $0x10, s13, s8, $0xb8;
	[tilespmem:$0x4400] =	vst v63  }
0x1c: {  	_ = 	snop  }
0x1d: {  	[tilespmem:s16], [sflag:$0x1] =	stream.indirect.gather [hbm4b:s3+s8], $0x10, s15, s8, $0xb8;
	[tilespmem:$0x4400] =	vst v63  }
0x1e: {  	_ = 	snop  }
0x1f: {  	[tilespmem:s18], [sflag:$0x1] =	stream.indirect.gather [hbm4b:s3+s8], $0x10, s17, s8, $0xb8;
	[tilespmem:$0x4400] =	vst v63  }
0x20: {  	_ = 	snop  }
0x21: {  	[tilespmem:s20], [sflag:$0x1] =	stream.indirect.gather [hbm4b:s3+s8], $0x10, s19, s8, $0xb8;
	[tilespmem:$0x4400] =	vst v63  }
0x22: {  	_ = 	snop  }
0x23: {  	[tilespmem:s22], [sflag:$0x1] =	stream.indirect.gather [hbm4b:s3+s8], $0x10, s21, s8, $0xb8;
	[tilespmem:$0x4400] =	vst v63  }
0x24: {  	_ =	swait.ge [sflag:s23], $0x800  }
0x25: {  	[sflag:s23] =	ssyncset.done $0x0  }
0x26: {  	[sflag:s23] =	ssyncadd.s32 $0xFFFFF800  }
0x27: {  	_ =	swait.ge [sflag:s23], $0x800  }
0x28: {  	[sflag:s23] =	ssyncset.done $0x0  }
0x29: {  	[sflag:s23] =	ssyncadd.s32 $0xFFFFF800  }
0x2a: {  	_ =	swait.ge [sflag:s23], $0x800  }
0x2b: {  	[sflag:s23] =	ssyncset.done $0x0  }
0x2c: {  	[sflag:s23] =	ssyncadd.s32 $0xFFFFF800  }
0x2d: {  	_ =	swait.ge [sflag:s23], $0x800  }
0x2e: {  	[sflag:s23] =	ssyncset.done $0x0  }
0x2f: {  	[sflag:s23] =	ssyncadd.s32 $0xFFFFF800  }
0x30: {  	_ =	swait.ge [sflag:s23], $0x800  }
0x31: {  	[sflag:s23] =	ssyncset.done $0x0  }
0x32: {  	[sflag:s23] =	ssyncadd.s32 $0xFFFFF800  }
0x33: {  	_ =	swait.ge [sflag:s23], $0x800  }
0x34: {  	[sflag:s23] =	ssyncset.done $0x0  }
0x35: {  	[sflag:s23] =	ssyncadd.s32 $0xFFFFF800  }
0x36: {  	_ =	swait.ge [sflag:s23], $0x800  }
0x37: {  	[sflag:s23] =	ssyncset.done $0x0  }
0x38: {  	[sflag:s23] =	ssyncadd.s32 $0xFFFFF800  }
0x39: {  	_ =	swait.ge [sflag:s23], $0x800  }
0x3a: {  	[sflag:s23] =	ssyncset.done $0x0  }
0x3b: {  	[sflag:s23] =	ssyncadd.s32 $0xFFFFF800  }
0x3c: {  	[hbm4b:s5+s2] =	stream.linear.scatter [tilespmem:s9], [sflag:$0x2], $0x4000, $0x38;
	[tilespmem:$0x4400] =	vst v63  }
0x3d: {  	s26 =	simm.s32 $0x80;
	_ =	swait.ge [sflag:s7], $0x4000  }
0x3e: {  	s29 =	simm.s32 $0x100;
	s25 =	sadd.s32 $0x800, s5;
	[sflag:s7] =	ssyncset.done $0x0  }
.LBB2_2:
0x3f: {  	s30 =	sadd.s32 s26, s6  }
0x40: {  	[sflag:s7] =	ssyncadd.s32 $0xFFFFC000;
	s26 =	smov.u32 s29;
	s28 =	sadd.s32 $0x80, s29  }
0x41: {  	[tilespmem:s2], [sflag:$0x2] =	stream.linear.gather [hbm4b:s30+s2], $0x400, $0x38;
	[tilespmem:$0x4400] =	vst v63  }
0x42: {  	p0 =	sne.s32 s29, $0x600;
	_ =	swait.ge [sflag:s7], $0x400  }
0x43: {  	[sflag:s7] =	ssyncset.done $0x0  }
0x44: {  	[sflag:s7] =	ssyncadd.s32 $0xFFFFFC00  }
0x45: {  	[tilespmem:s9], [sflag:$0x1] =	stream.indirect.gather [hbm4b:s3+s8], $0x10, s2, s8, $0xb8;
	[tilespmem:$0x4400] =	vst v63  }
0x46: {  	_ = 	snop  }
0x47: {  	[tilespmem:s10], [sflag:$0x1] =	stream.indirect.gather [hbm4b:s3+s8], $0x10, s8, s8, $0xb8;
	[tilespmem:$0x4400] =	vst v63  }
0x48: {  	_ = 	snop  }
0x49: {  	[tilespmem:s12], [sflag:$0x1] =	stream.indirect.gather [hbm4b:s3+s8], $0x10, s11, s8, $0xb8;
	[tilespmem:$0x4400] =	vst v63  }
0x4a: {  	_ = 	snop  }
0x4b: {  	[tilespmem:s14], [sflag:$0x1] =	stream.indirect.gather [hbm4b:s3+s8], $0x10, s13, s8, $0xb8;
	[tilespmem:$0x4400] =	vst v63  }
0x4c: {  	_ = 	snop  }
0x4d: {  	[tilespmem:s16], [sflag:$0x1] =	stream.indirect.gather [hbm4b:s3+s8], $0x10, s15, s8, $0xb8;
	[tilespmem:$0x4400] =	vst v63  }
0x4e: {  	_ = 	snop  }
0x4f: {  	[tilespmem:s18], [sflag:$0x1] =	stream.indirect.gather [hbm4b:s3+s8], $0x10, s17, s8, $0xb8;
	[tilespmem:$0x4400] =	vst v63  }
0x50: {  	_ = 	snop  }
0x51: {  	[tilespmem:s20], [sflag:$0x1] =	stream.indirect.gather [hbm4b:s3+s8], $0x10, s19, s8, $0xb8;
	[tilespmem:$0x4400] =	vst v63  }
0x52: {  	_ = 	snop  }
0x53: {  	[tilespmem:s22], [sflag:$0x1] =	stream.indirect.gather [hbm4b:s3+s8], $0x10, s21, s8, $0xb8;
	[tilespmem:$0x4400] =	vst v63  }
0x54: {  	_ =	swait.ge [sflag:s23], $0x800  }
0x55: {  	[sflag:s23] =	ssyncset.done $0x0  }
0x56: {  	[sflag:s23] =	ssyncadd.s32 $0xFFFFF800  }
0x57: {  	_ =	swait.ge [sflag:s23], $0x800  }
0x58: {  	[sflag:s23] =	ssyncset.done $0x0  }
0x59: {  	[sflag:s23] =	ssyncadd.s32 $0xFFFFF800  }
0x5a: {  	_ =	swait.ge [sflag:s23], $0x800  }
0x5b: {  	[sflag:s23] =	ssyncset.done $0x0  }
0x5c: {  	[sflag:s23] =	ssyncadd.s32 $0xFFFFF800  }
0x5d: {  	_ =	swait.ge [sflag:s23], $0x800  }
0x5e: {  	[sflag:s23] =	ssyncset.done $0x0  }
0x5f: {  	[sflag:s23] =	ssyncadd.s32 $0xFFFFF800  }
0x60: {  	_ =	swait.ge [sflag:s23], $0x800  }
0x61: {  	[sflag:s23] =	ssyncset.done $0x0  }
0x62: {  	[sflag:s23] =	ssyncadd.s32 $0xFFFFF800  }
0x63: {  	_ =	swait.ge [sflag:s23], $0x800  }
0x64: {  	[sflag:s23] =	ssyncset.done $0x0  }
0x65: {  	[sflag:s23] =	ssyncadd.s32 $0xFFFFF800  }
0x66: {  	_ =	swait.ge [sflag:s23], $0x800  }
0x67: {  	[sflag:s23] =	ssyncset.done $0x0  }
0x68: {  	[sflag:s23] =	ssyncadd.s32 $0xFFFFF800  }
0x69: {  	_ =	swait.ge [sflag:s23], $0x800  }
.Ltmp0:
0x6a: {  	[sflag:s23] =	ssyncset.done $0x0;
	(pc) =	sbr.rel @p0 .LBB2_2-.Ltmp0, $4  }
0x6b: {  	[sflag:s23] =	ssyncadd.s32 $0xFFFFF800  }
0x6c: {  	[hbm4b:s25+s2] =	stream.linear.scatter [tilespmem:s9], [sflag:$0x2], $0x4000, $0x38;
	[tilespmem:$0x4400] =	vst v63  }
0x6d: {  	_ =	swait.ge [sflag:s7], $0x4000  }
0x6e: {  	s29 =	smov.u32 s28;
	s25 =	sadd.s32 $0x800, s25;
	[sflag:s7] =	ssyncset.done $0x0  }
0x6f: {  	s26 =	sadd.s32 s26, s6;
	[sflag:s7] =	ssyncadd.s32 $0xFFFFC000  }
0x70: {  	[tilespmem:s2], [sflag:$0x2] =	stream.linear.gather [hbm4b:s26+s2], $0x400, $0x38;
	[tilespmem:$0x4400] =	vst v63  }
0x71: {  	_ =	swait.ge [sflag:s7], $0x400  }
0x72: {  	[sflag:s7] =	ssyncset.done $0x0  }
0x73: {  	[sflag:s7] =	ssyncadd.s32 $0xFFFFFC00  }
0x74: {  	[tilespmem:s9], [sflag:$0x1] =	stream.indirect.gather [hbm4b:s3+s8], $0x10, s2, s8, $0xb8;
	[tilespmem:$0x4400] =	vst v63  }
0x75: {  	_ = 	snop  }
0x76: {  	[tilespmem:s10], [sflag:$0x1] =	stream.indirect.gather [hbm4b:s3+s8], $0x10, s8, s8, $0xb8;
	[tilespmem:$0x4400] =	vst v63  }
0x77: {  	_ = 	snop  }
0x78: {  	[tilespmem:s12], [sflag:$0x1] =	stream.indirect.gather [hbm4b:s3+s8], $0x10, s11, s8, $0xb8;
	[tilespmem:$0x4400] =	vst v63  }
0x79: {  	_ = 	snop  }
0x7a: {  	[tilespmem:s14], [sflag:$0x1] =	stream.indirect.gather [hbm4b:s3+s8], $0x10, s13, s8, $0xb8;
	[tilespmem:$0x4400] =	vst v63  }
0x7b: {  	_ = 	snop  }
0x7c: {  	[tilespmem:s16], [sflag:$0x1] =	stream.indirect.gather [hbm4b:s3+s8], $0x10, s15, s8, $0xb8;
	[tilespmem:$0x4400] =	vst v63  }
0x7d: {  	_ = 	snop  }
0x7e: {  	[tilespmem:s18], [sflag:$0x1] =	stream.indirect.gather [hbm4b:s3+s8], $0x10, s17, s8, $0xb8;
	[tilespmem:$0x4400] =	vst v63  }
0x7f: {  	_ = 	snop  }
0x80: {  	[tilespmem:s20], [sflag:$0x1] =	stream.indirect.gather [hbm4b:s3+s8], $0x10, s19, s8, $0xb8;
	[tilespmem:$0x4400] =	vst v63  }
0x81: {  	_ = 	snop  }
0x82: {  	[tilespmem:s22], [sflag:$0x1] =	stream.indirect.gather [hbm4b:s3+s8], $0x10, s21, s8, $0xb8;
	[tilespmem:$0x4400] =	vst v63  }
0x83: {  	_ =	swait.ge [sflag:s23], $0x800  }
0x84: {  	[sflag:s23] =	ssyncset.done $0x0  }
0x85: {  	[sflag:s23] =	ssyncadd.s32 $0xFFFFF800  }
0x86: {  	_ =	swait.ge [sflag:s23], $0x800  }
0x87: {  	[sflag:s23] =	ssyncset.done $0x0  }
0x88: {  	[sflag:s23] =	ssyncadd.s32 $0xFFFFF800  }
0x89: {  	_ =	swait.ge [sflag:s23], $0x800  }
0x8a: {  	[sflag:s23] =	ssyncset.done $0x0  }
0x8b: {  	[sflag:s23] =	ssyncadd.s32 $0xFFFFF800  }
0x8c: {  	_ =	swait.ge [sflag:s23], $0x800  }
0x8d: {  	[sflag:s23] =	ssyncset.done $0x0  }
0x8e: {  	[sflag:s23] =	ssyncadd.s32 $0xFFFFF800  }
0x8f: {  	_ =	swait.ge [sflag:s23], $0x800  }
0x90: {  	[sflag:s23] =	ssyncset.done $0x0  }
0x91: {  	[sflag:s23] =	ssyncadd.s32 $0xFFFFF800  }
0x92: {  	_ =	swait.ge [sflag:s23], $0x800  }
0x93: {  	[sflag:s23] =	ssyncset.done $0x0  }
0x94: {  	[sflag:s23] =	ssyncadd.s32 $0xFFFFF800  }
0x95: {  	_ =	swait.ge [sflag:s23], $0x800  }
0x96: {  	[sflag:s23] =	ssyncset.done $0x0  }
0x97: {  	[sflag:s23] =	ssyncadd.s32 $0xFFFFF800  }
0x98: {  	s24 =	sadd.s32 $0x1, s24;
	_ =	swait.ge [sflag:s23], $0x800  }
0x99: {  	p0 =	sne.s32 s24, s4;
	[sflag:s23] =	ssyncset.done $0x0  }
.Ltmp1:
0x9a: {  	[sflag:s23] =	ssyncadd.s32 $0xFFFFF800;
	(pc) =	sbr.rel @p0 .LBB2_1-.Ltmp1, $4  }
0x9b: {  	[hbm4b:s25+s2] =	stream.linear.scatter [tilespmem:s9], [sflag:$0x2], $0x4000, $0x38;
	[tilespmem:$0x4400] =	vst v63  }
0x9c: {  	_ =	swait.ge [sflag:s7], $0x4000  }
0x9d: {  	[sflag:s7] =	ssyncset.done $0x0  }
0x9e: {  	[sflag:s7] =	ssyncadd.s32 $0xFFFFC000  }
0x9f: {  	_ =	sfence.sel $0x180000  }
0xa0: {  	[bflag:$0x0] =	sbarrier.arrive $0xFFFF  }
0xa1: {  	p0 =	sne.s32 s0, $0x0;
	_ =	strace $0x90000047  }
0xa2: {  	s0 =	sadd.s32 @!p0 $0x100000, s1;
	[bflag:$0x2] =	sbarrier.arrive $0xFFFF  }
0xa3: {  	[sflag:s0] =	ssyncadd.tile.s32 @!p0 $0x1;
	_ =	shalt  }
.Lfunc_end2:
_tile_overlayer_lowered:
.L_overlay_start_2:
0xa4: {  	(tag) =	ssettag $0x2  }
0xa5: {  	s0 =	rddreg [dreg:$0x0];
	s2 =	stileid.u32  }
0xa6: {  	s1 =	rddreg [dreg:$0x1];
	p0 =	sne.s32 s2, $0x0  }
0xa7: {  	s3 =	rddreg [dreg:$0x2];
	[bflag:$0x3] =	sbarrier.arrive $0xFFFF;
	s2 =	simm.s32 @!p0 $0x1C02  }
0xa8: {  	[timem:s3], [sflag:s2] =	dma.local @!p0 [hbm:s0], s1  }
0xa9: {  	s0 =	simm.s32 @!p0 $0x2  }
0xaa: {  	_ =	swait.ge @!p0 [sflag:s0], s1  }
0xab: {  	s1 =	ssub.s32 @!p0 $0x0, s1;
	[sflag:s0] =	ssyncset.done @!p0 $0x0  }
0xac: {  	[sflag:s0] =	ssyncadd.s32 @!p0 s1  }
0xad: {  	[bflag:$0x3] =	sbarrier.arrive $0xFFFF  }
0xae: {  	_ =	shalt  }

</sc_bundles>
